<compile_context>
chip_gen: v7x
topology: tpu7x:2x2x1
jax: 0.10.2.dev20260603
libtpu: 0.0.44.dev20260713+nightly
codegen_flags: <defaults>
</compile_context>

<pallas_src>
import functools

import jax
import jax.numpy as jnp
from jax import lax
from jax.experimental import pallas as pl
from jax.experimental.pallas import tpu as pltpu
from jax.experimental.pallas import tpu_sc as plsc

_DIM = 768
_E = 64
_K = 8
_N = 32768
_T = 512
_NB = _N // _T

_NC = 2
_NS = 16
_NW = _NC * _NS
_S = _N * _K // _NW
_COLS = 128
_ROWS = _S // _COLS
_TROWS = _N * _K // _NS // _COLS
_HALF = _N * _K // _NC


def _tc_body(x_ref, bias_ref, wt_ref, vals_ref, sel_ref, posng_ref,
             counts_ref, offs_ref, carry, ltri):
    pid = pl.program_id(0)

    @pl.when(pid == 0)
    def _init():
        carry[...] = jnp.zeros_like(carry)
        r = lax.broadcasted_iota(jnp.int32, (_T, _T), 0)
        c = lax.broadcasted_iota(jnp.int32, (_T, _T), 1)
        ltri[...] = (c < r).astype(jnp.bfloat16)

    x = x_ref[...]
    wt = wt_ref[...]
    logits = jnp.dot(x, wt, preferred_element_type=jnp.float32)
    m = jnp.max(logits, axis=1, keepdims=True)
    ex = jnp.exp(logits - m)
    probs = ex * (1.0 / jnp.sum(ex, axis=1, keepdims=True))

    bias = bias_ref[0:1, :]
    work = probs + bias
    lane = lax.broadcasted_iota(jnp.int32, (_T, _E), 1).astype(jnp.float32)
    hist = jnp.zeros((_T, _E), jnp.float32)
    sel_cols = []
    val_cols = []
    for _ in range(_K):
        mk = jnp.max(work, axis=1, keepdims=True)
        cand = jnp.where(work == mk, lane, float(_E))
        idx = jnp.min(cand, axis=1, keepdims=True)
        hot = lane == idx
        sel_cols.append(idx)
        val_cols.append(jnp.sum(jnp.where(hot, probs, 0.0), axis=1,
                                keepdims=True))
        work = jnp.where(hot, -jnp.inf, work)
        hist = hist + hot.astype(jnp.float32)

    vals_ref[...] = jnp.concatenate(val_cols, axis=1)
    sel_ref[...] = jnp.concatenate(sel_cols, axis=1).astype(jnp.int32)

    cum = jnp.dot(ltri[...], hist.astype(jnp.bfloat16),
                  preferred_element_type=jnp.float32)
    pos_tok = carry[0:1, :] + cum
    png_cols = [jnp.sum(jnp.where(lane == s, pos_tok, 0.0), axis=1,
                        keepdims=True) for s in sel_cols]
    posng_ref[...] = jnp.concatenate(png_cols, axis=1).astype(jnp.int32)

    new_carry = carry[0:1, :] + jnp.sum(hist, axis=0, keepdims=True)
    carry[...] = jnp.broadcast_to(new_carry, carry.shape)

    counts_ref[...] = jnp.broadcast_to(new_carry, (8, _E)).astype(jnp.int32)

    @pl.when(pid == _NB - 1)
    def _tail():
        lo = lax.broadcasted_iota(jnp.int32, (_E, _E), 0)
        hi = lax.broadcasted_iota(jnp.int32, (_E, _E), 1)
        strict = (lo < hi).astype(jnp.float32)
        offs = jnp.dot(new_carry, strict,
                       preferred_element_type=jnp.float32,
                       precision=lax.Precision.HIGHEST)
        offs_ref[...] = jnp.broadcast_to(offs, (8, _E)).astype(jnp.int32)


def _tc_route(x, bias8, wt):
    return pl.pallas_call(
        _tc_body,
        grid=(_NB,),
        in_specs=[
            pl.BlockSpec((_T, _DIM), lambda i: (i, 0)),
            pl.BlockSpec((8, _E), lambda i: (0, 0)),
            pl.BlockSpec((_DIM, _E), lambda i: (0, 0)),
        ],
        out_specs=[
            pl.BlockSpec((_T, _K), lambda i: (i, 0)),
            pl.BlockSpec((_T, _K), lambda i: (i, 0)),
            pl.BlockSpec((_T, _K), lambda i: (i, 0)),
            pl.BlockSpec((8, _E), lambda i: (0, 0)),
            pl.BlockSpec((8, _E), lambda i: (0, 0)),
        ],
        out_shape=[
            jax.ShapeDtypeStruct((_N, _K), jnp.float32),
            jax.ShapeDtypeStruct((_N, _K), jnp.int32),
            jax.ShapeDtypeStruct((_N, _K), jnp.int32),
            jax.ShapeDtypeStruct((8, _E), jnp.int32),
            jax.ShapeDtypeStruct((8, _E), jnp.int32),
        ],
        scratch_shapes=[
            pltpu.VMEM((8, _E), jnp.float32),
            pltpu.VMEM((_T, _T), jnp.bfloat16),
        ],
        compiler_params=pltpu.CompilerParams(
            dimension_semantics=("arbitrary",)),
    )(x, bias8, wt)


@functools.lru_cache(maxsize=1)
def _sc_scatter_kernel():
    mesh = plsc.VectorSubcoreMesh(core_axis_name="c", subcore_axis_name="s",
                                  num_cores=_NC, num_subcores=_NS)
    return functools.partial(
        pl.kernel,
        mesh=mesh,
        out_type=[
            jax.ShapeDtypeStruct((_N * _K,), jnp.float32),
            jax.ShapeDtypeStruct((_N * _K,), jnp.int32),
        ],
        scratch_types=[
            pltpu.VMEM((_TROWS, _COLS), jnp.float32),
            pltpu.VMEM((_TROWS, _COLS), jnp.int32),
            pltpu.VMEM((_TROWS, _COLS), jnp.int32),
            pltpu.VMEM((_TROWS, _COLS), jnp.int32),
            pltpu.VMEM((_E,), jnp.int32),
            pltpu.VMEM((_HALF // _NS,), jnp.float32),
            pltpu.VMEM((_HALF // _NS,), jnp.int32),
            pltpu.VMEM_SHARED((_N * _K,), jnp.float32),
            pltpu.VMEM_SHARED((_N * _K,), jnp.int32),
            pltpu.SemaphoreType.DMA,
            pltpu.SemaphoreType.DMA,
        ],
        compiler_params=pltpu.CompilerParams(needs_layout_passes=False),
    )(_sc_scatter_body)


def _sc_scatter_body(vals_hbm, sel_hbm, posng_hbm, offs_hbm,
                     out_s_hbm, out_t_hbm,
                     val_v, sel_v, pos_v, tok_v, offs_v, bnc_s, bnc_t,
                     sp_s, sp_t, sem_s, sem_t):
    cid = lax.axis_index("c")
    sid = lax.axis_index("s")
    row0 = sid * _TROWS
    base = row0 * _COLS

    pltpu.async_copy(vals_hbm.at[pl.ds(row0, _TROWS), :], val_v, sem_s)
    pltpu.async_copy(sel_hbm.at[pl.ds(row0, _TROWS), :], sel_v, sem_t)
    pltpu.async_copy(posng_hbm.at[pl.ds(row0, _TROWS), :], pos_v, sem_s)
    pltpu.sync_copy(offs_hbm, offs_v)
    pltpu.make_async_copy(vals_hbm.at[pl.ds(row0, _TROWS), :], val_v,
                          sem_s).wait()
    pltpu.make_async_copy(sel_hbm.at[pl.ds(row0, _TROWS), :], sel_v,
                          sem_t).wait()
    pltpu.make_async_copy(posng_hbm.at[pl.ds(row0, _TROWS), :], pos_v,
                          sem_s).wait()

    lane16 = lax.iota(jnp.int32, 16)

    def _row(r, _):
        flat0 = base + r * _COLS + lane16
        for c in range(_COLS // 16):
            sl = pl.ds(c * 16, 16)
            e = sel_v[r, sl]
            off = plsc.load_gather(offs_v, [e])
            pos_v[r, sl] = pos_v[r, sl] + off
            tok_v[r, sl] = lax.shift_right_logical(flat0 + c * 16, 3)
        pltpu.async_copy(val_v.at[r], sp_s.at[pos_v.at[r]], sem_s)
        pltpu.async_copy(tok_v.at[r], sp_t.at[pos_v.at[r]], sem_t)
        return 0

    lax.fori_loop(0, _TROWS, _row, 0)
    pltpu.make_async_copy(vals_hbm.at[pl.ds(row0, _TROWS), :], val_v,
                          sem_s).wait()
    pltpu.make_async_copy(posng_hbm.at[pl.ds(row0, _TROWS), :], tok_v,
                          sem_t).wait()

    plsc.subcore_barrier()

    span = _HALF // _NS
    out0 = cid * _HALF + sid * span
    pltpu.sync_copy(sp_s.at[pl.ds(out0, span)], bnc_s)
    pltpu.sync_copy(sp_t.at[pl.ds(out0, span)], bnc_t)
    pltpu.async_copy(bnc_s, out_s_hbm.at[pl.ds(out0, span)], sem_s)
    pltpu.async_copy(bnc_t, out_t_hbm.at[pl.ds(out0, span)], sem_t)
    pltpu.make_async_copy(bnc_s, out_s_hbm.at[pl.ds(out0, span)],
                          sem_s).wait()
    pltpu.make_async_copy(bnc_t, out_t_hbm.at[pl.ds(out0, span)],
                          sem_t).wait()


def kernel(x, expert_bias, W):
    bias8 = jnp.broadcast_to(expert_bias.reshape(1, _E), (8, _E))
    wt = W.T
    vals, sel, posng, counts8, offs8 = _tc_route(x, bias8, wt)
    vals2 = vals.reshape(_NW * _ROWS, _COLS)
    sel2 = sel.reshape(_NW * _ROWS, _COLS)
    posng2 = posng.reshape(_NW * _ROWS, _COLS)
    offs = offs8[0]
    out_s, out_t = _sc_scatter_kernel()(vals2, sel2, posng2, offs)
    return out_s, out_t, counts8[0]

# --- scband reference (transcript-rebuilt; emitter-appended) ---
"""Pipeline reference for scband-token-choice-top-krouter-1992864825974 (READ-ONLY COPY).

The authoritative reference and input builder live on the scoring server;
editing this copy changes nothing except your own understanding.
"""

import jax, jax.numpy as jnp
import numpy as np

DIM = 768
NUM_EXPERTS = 64
TOP_K = 8
N_TOKENS = 32768


def setup_inputs(seed: int = 0) -> dict:
    key = jax.random.key(seed)
    k1, k2 = jax.random.split(key)
    x = jax.random.normal(k1, (N_TOKENS, DIM), dtype=jnp.float32)
    expert_bias = jnp.zeros((NUM_EXPERTS,), dtype=jnp.float32)
    # gate weight: nn.Linear(dim, num_experts, bias=False) -> weight shape [num_experts, dim]
    W = jax.random.normal(k2, (NUM_EXPERTS, DIM), dtype=jnp.float32) * 0.02
    return {"x": x, "expert_bias": expert_bias, "W": W}


def reference(x, expert_bias, W):
    # gate: linear projection
    scores = x @ W.T
    # softmax over experts in float32
    scores = jax.nn.softmax(scores.astype(jnp.float32), axis=1)
    # top-k on biased scores (bias only affects selection, not the gathered scores)
    _, selected_experts_indices = jax.lax.top_k(scores + expert_bias[None, :], TOP_K)
    top_scores = jnp.take_along_axis(scores, selected_experts_indices, axis=1)
    flat_sel = selected_experts_indices.reshape(-1)
    # histc(bins=num_experts, min=0, max=num_experts) == bincount with length=num_experts
    num_local_tokens_per_expert = jnp.bincount(flat_sel, length=NUM_EXPERTS)
    # stable argsort by expert id
    token_indices_experts_sorted = jnp.argsort(flat_sel, stable=True)
    top_scores = top_scores.reshape(-1)[token_indices_experts_sorted]
    token_indices_experts_sorted = token_indices_experts_sorted // TOP_K
    return (top_scores, token_indices_experts_sorted, num_local_tokens_per_expert)

if __name__ == "__main__":
    import jax
    _d = setup_inputs()
    print(jax.jit(kernel)(*tuple(_d.values())))

</pallas_src>

<mosaic_0001>
#map = affine_map<(d0, d1) -> (0, 0)>
#map1 = affine_map<(d0, d1) -> (0)>
module attributes {stable_mosaic.version = 14 : i64} {
  func.func @_sc_scatter_body(%arg0: i32, %arg1: i32, %arg2: memref<2048x128xf32, #tpu.memory_space<hbm>>, %arg3: memref<2048x128xi32, #tpu.memory_space<hbm>>, %arg4: memref<2048x128xi32, #tpu.memory_space<hbm>>, %arg5: memref<64xi32, #tpu.memory_space<hbm>>, %arg6: memref<262144xf32, #tpu.memory_space<hbm>>, %arg7: memref<262144xi32, #tpu.memory_space<hbm>>, %arg8: memref<128x128xf32, #tpu.memory_space<vmem>>, %arg9: memref<128x128xi32, #tpu.memory_space<vmem>>, %arg10: memref<128x128xi32, #tpu.memory_space<vmem>>, %arg11: memref<128x128xi32, #tpu.memory_space<vmem>>, %arg12: memref<64xi32, #tpu.memory_space<vmem>>, %arg13: memref<8192xf32, #tpu.memory_space<vmem>>, %arg14: memref<8192xi32, #tpu.memory_space<vmem>>, %arg15: memref<262144xf32, #tpu.memory_space<vmem_shared>>, %arg16: memref<262144xi32, #tpu.memory_space<vmem_shared>>, %arg17: memref<!tpu.dma_semaphore, #tpu.memory_space<semaphore_mem>>, %arg18: memref<!tpu.dma_semaphore, #tpu.memory_space<semaphore_mem>>) attributes {dimension_semantics = [#tpu.dimension_semantics<core_parallel>, #tpu.dimension_semantics<subcore_parallel>], iteration_bounds = array<i64: 2, 16>, scalar_prefetch = 0 : i64, scratch_operands = 11 : i64, tpu.core_type = #tpu.core_type<sc_vector_subcore>, window_params = [{transform_indices = #map}, {transform_indices = #map}, {transform_indices = #map}, {transform_indices = #map1}, {transform_indices = #map1}, {transform_indices = #map1}]} {
    %mul3A = arith.constant 128 : i32
    %mul3A_0 = arith.muli %arg1, %mul3A : i32
    %mul3A_1 = arith.constant 128 : i32
    %mul3A_2 = arith.muli %mul3A_0, %mul3A_1 : i32
    %dma_start3A = arith.constant 0 : i32
    %dma_start3A_3 = tpu.memref_slice %arg2[%mul3A_0, %dma_start3A] : memref<2048x128xf32, #tpu.memory_space<hbm>> -> memref<128x128xf32, #tpu.memory_space<hbm>>
    %dma_start3A_4 = arith.constant 0 : i32
    %dma_start3A_5 = tpu.memref_slice %arg2[%mul3A_0, %dma_start3A_4] : memref<2048x128xf32, #tpu.memory_space<hbm>> -> memref<128x128xf32, #tpu.memory_space<hbm>>
    tpu.enqueue_dma source(%dma_start3A_5 : memref<128x128xf32, #tpu.memory_space<hbm>>) target(%arg8 : memref<128x128xf32, #tpu.memory_space<vmem>>) target_semaphore(%arg17 : memref<!tpu.dma_semaphore, #tpu.memory_space<semaphore_mem>>)
    %dma_start3A_6 = arith.constant 0 : i32
    %dma_start3A_7 = tpu.memref_slice %arg3[%mul3A_0, %dma_start3A_6] : memref<2048x128xi32, #tpu.memory_space<hbm>> -> memref<128x128xi32, #tpu.memory_space<hbm>>
    %dma_start3A_8 = arith.constant 0 : i32
    %dma_start3A_9 = tpu.memref_slice %arg3[%mul3A_0, %dma_start3A_8] : memref<2048x128xi32, #tpu.memory_space<hbm>> -> memref<128x128xi32, #tpu.memory_space<hbm>>
    tpu.enqueue_dma source(%dma_start3A_9 : memref<128x128xi32, #tpu.memory_space<hbm>>) target(%arg9 : memref<128x128xi32, #tpu.memory_space<vmem>>) target_semaphore(%arg18 : memref<!tpu.dma_semaphore, #tpu.memory_space<semaphore_mem>>)
    %dma_start3A_10 = arith.constant 0 : i32
    %dma_start3A_11 = tpu.memref_slice %arg4[%mul3A_0, %dma_start3A_10] : memref<2048x128xi32, #tpu.memory_space<hbm>> -> memref<128x128xi32, #tpu.memory_space<hbm>>
    %dma_start3A_12 = arith.constant 0 : i32
    %dma_start3A_13 = tpu.memref_slice %arg4[%mul3A_0, %dma_start3A_12] : memref<2048x128xi32, #tpu.memory_space<hbm>> -> memref<128x128xi32, #tpu.memory_space<hbm>>
    tpu.enqueue_dma source(%dma_start3A_13 : memref<128x128xi32, #tpu.memory_space<hbm>>) target(%arg10 : memref<128x128xi32, #tpu.memory_space<vmem>>) target_semaphore(%arg17 : memref<!tpu.dma_semaphore, #tpu.memory_space<semaphore_mem>>)
    "tpu.region"() ({
      %run_scoped3A = tpu.sem_alloc : memref<!tpu.dma_semaphore, #tpu.memory_space<semaphore_mem>>
      tpu.enqueue_dma source(%arg5 : memref<64xi32, #tpu.memory_space<hbm>>) target(%arg12 : memref<64xi32, #tpu.memory_space<vmem>>) target_semaphore(%run_scoped3A : memref<!tpu.dma_semaphore, #tpu.memory_space<semaphore_mem>>)
      tpu.wait_dma2 semaphore(%run_scoped3A : memref<!tpu.dma_semaphore, #tpu.memory_space<semaphore_mem>>) src(%arg5 : memref<64xi32, #tpu.memory_space<hbm>>) dst(%arg12 : memref<64xi32, #tpu.memory_space<vmem>>)
      tpu.yield
    }) : () -> ()
    %dma_wait3A = arith.constant 0 : i32
    %dma_wait3A_14 = tpu.memref_slice %arg2[%mul3A_0, %dma_wait3A] : memref<2048x128xf32, #tpu.memory_space<hbm>> -> memref<128x128xf32, #tpu.memory_space<hbm>>
    %dma_wait3A_15 = arith.constant 0 : i32
    %dma_wait3A_16 = tpu.memref_slice %arg2[%mul3A_0, %dma_wait3A_15] : memref<2048x128xf32, #tpu.memory_space<hbm>> -> memref<128x128xf32, #tpu.memory_space<hbm>>
    tpu.wait_dma2 semaphore(%arg17 : memref<!tpu.dma_semaphore, #tpu.memory_space<semaphore_mem>>) src(%dma_wait3A_16 : memref<128x128xf32, #tpu.memory_space<hbm>>) dst(%arg8 : memref<128x128xf32, #tpu.memory_space<vmem>>)
    %dma_wait3A_17 = arith.constant 0 : i32
    %dma_wait3A_18 = tpu.memref_slice %arg3[%mul3A_0, %dma_wait3A_17] : memref<2048x128xi32, #tpu.memory_space<hbm>> -> memref<128x128xi32, #tpu.memory_space<hbm>>
    %dma_wait3A_19 = arith.constant 0 : i32
    %dma_wait3A_20 = tpu.memref_slice %arg3[%mul3A_0, %dma_wait3A_19] : memref<2048x128xi32, #tpu.memory_space<hbm>> -> memref<128x128xi32, #tpu.memory_space<hbm>>
    tpu.wait_dma2 semaphore(%arg18 : memref<!tpu.dma_semaphore, #tpu.memory_space<semaphore_mem>>) src(%dma_wait3A_20 : memref<128x128xi32, #tpu.memory_space<hbm>>) dst(%arg9 : memref<128x128xi32, #tpu.memory_space<vmem>>)
    %dma_wait3A_21 = arith.constant 0 : i32
    %dma_wait3A_22 = tpu.memref_slice %arg4[%mul3A_0, %dma_wait3A_21] : memref<2048x128xi32, #tpu.memory_space<hbm>> -> memref<128x128xi32, #tpu.memory_space<hbm>>
    %dma_wait3A_23 = arith.constant 0 : i32
    %dma_wait3A_24 = tpu.memref_slice %arg4[%mul3A_0, %dma_wait3A_23] : memref<2048x128xi32, #tpu.memory_space<hbm>> -> memref<128x128xi32, #tpu.memory_space<hbm>>
    tpu.wait_dma2 semaphore(%arg17 : memref<!tpu.dma_semaphore, #tpu.memory_space<semaphore_mem>>) src(%dma_wait3A_24 : memref<128x128xi32, #tpu.memory_space<hbm>>) dst(%arg10 : memref<128x128xi32, #tpu.memory_space<vmem>>)
    %iota3A = tpu.iota {dimensions = array<i32: 0>} : vector<16xi32>
    %scan3A = arith.constant 0 : i32
    %scan3A_25 = arith.constant 0 : i32
    %scan3A_26 = arith.constant 128 : i32
    %scan3A_27 = arith.addi %scan3A_25, %scan3A_26 : i32
    %scan3A_28 = arith.constant 1 : i32
    %scan3A_29 = scf.for %scan3A_51 = %scan3A_25 to %scan3A_27 step %scan3A_28 iter_args(%scan3A_52 = %scan3A) -> (i32)  : i32 {
      %mul3A_53 = arith.constant 128 : i32
      %mul3A_54 = arith.muli %scan3A_51, %mul3A_53 : i32
      %add3A_55 = arith.addi %mul3A_2, %mul3A_54 : i32
      %add3A_56 = vector.broadcast %add3A_55 : i32 to vector<16xi32>
      %add3A_57 = arith.addi %add3A_56, %iota3A : vector<16xi32>
      %get3A = arith.index_cast %scan3A_51 : i32 to index
      %get3A_58 = arith.constant 0 : index
      %get3A_59 = tpu.vector_load %arg9[%get3A, %get3A_58] {strides = array<i32>} : memref<128x128xi32, #tpu.memory_space<vmem>>, vector<16xi32>,
      %gather3A = tpu.vector_load_idx %arg12[%get3A_59] : memref<64xi32, #tpu.memory_space<vmem>>[vector<16xi32>], vector<16xi32>,
      %get3A_60 = arith.index_cast %scan3A_51 : i32 to index
      %get3A_61 = arith.constant 0 : index
      %get3A_62 = tpu.vector_load %arg10[%get3A_60, %get3A_61] {strides = array<i32>} : memref<128x128xi32, #tpu.memory_space<vmem>>, vector<16xi32>,
      %add3A_63 = arith.addi %get3A_62, %gather3A : vector<16xi32>
      %swap3A = arith.index_cast %scan3A_51 : i32 to index
      %swap3A_64 = arith.constant 0 : index
      %swap3A_65 = tpu.vector_load %arg10[%swap3A, %swap3A_64] {strides = array<i32>} : memref<128x128xi32, #tpu.memory_space<vmem>>, vector<16xi32>,
      tpu.vector_store %arg10[%swap3A, %swap3A_64], %add3A_63 {strides = array<i32>} : memref<128x128xi32, #tpu.memory_space<vmem>>, vector<16xi32>,
      %add3A_66 = arith.constant 0 : i32
      %add3A_67 = vector.broadcast %add3A_66 : i32 to vector<16xi32>
      %add3A_68 = arith.addi %add3A_57, %add3A_67 : vector<16xi32>
      %shift_right_logical3A = arith.constant 3 : i32
      %shift_right_logical3A_69 = vector.broadcast %shift_right_logical3A : i32 to vector<16xi32>
      %shift_right_logical3A_70 = arith.shrui %add3A_68, %shift_right_logical3A_69 : vector<16xi32>
      %swap3A_71 = arith.index_cast %scan3A_51 : i32 to index
      %swap3A_72 = arith.constant 0 : index
      %swap3A_73 = tpu.vector_load %arg11[%swap3A_71, %swap3A_72] {strides = array<i32>} : memref<128x128xi32, #tpu.memory_space<vmem>>, vector<16xi32>,
      tpu.vector_store %arg11[%swap3A_71, %swap3A_72], %shift_right_logical3A_70 {strides = array<i32>} : memref<128x128xi32, #tpu.memory_space<vmem>>, vector<16xi32>,
      %get3A_74 = arith.index_cast %scan3A_51 : i32 to index
      %get3A_75 = arith.constant 16 : index
      %get3A_76 = tpu.vector_load %arg9[%get3A_74, %get3A_75] {strides = array<i32>} : memref<128x128xi32, #tpu.memory_space<vmem>>, vector<16xi32>,
      %gather3A_77 = tpu.vector_load_idx %arg12[%get3A_76] : memref<64xi32, #tpu.memory_space<vmem>>[vector<16xi32>], vector<16xi32>,
      %get3A_78 = arith.index_cast %scan3A_51 : i32 to index
      %get3A_79 = arith.constant 16 : index
      %get3A_80 = tpu.vector_load %arg10[%get3A_78, %get3A_79] {strides = array<i32>} : memref<128x128xi32, #tpu.memory_space<vmem>>, vector<16xi32>,
      %add3A_81 = arith.addi %get3A_80, %gather3A_77 : vector<16xi32>
      %swap3A_82 = arith.index_cast %scan3A_51 : i32 to index
      %swap3A_83 = arith.constant 16 : index
      %swap3A_84 = tpu.vector_load %arg10[%swap3A_82, %swap3A_83] {strides = array<i32>} : memref<128x128xi32, #tpu.memory_space<vmem>>, vector<16xi32>,
      tpu.vector_store %arg10[%swap3A_82, %swap3A_83], %add3A_81 {strides = array<i32>} : memref<128x128xi32, #tpu.memory_space<vmem>>, vector<16xi32>,
      %add3A_85 = arith.constant 16 : i32
      %add3A_86 = vector.broadcast %add3A_85 : i32 to vector<16xi32>
      %add3A_87 = arith.addi %add3A_57, %add3A_86 : vector<16xi32>
      %shift_right_logical3A_88 = arith.constant 3 : i32
      %shift_right_logical3A_89 = vector.broadcast %shift_right_logical3A_88 : i32 to vector<16xi32>
      %shift_right_logical3A_90 = arith.shrui %add3A_87, %shift_right_logical3A_89 : vector<16xi32>
      %swap3A_91 = arith.index_cast %scan3A_51 : i32 to index
      %swap3A_92 = arith.constant 16 : index
      %swap3A_93 = tpu.vector_load %arg11[%swap3A_91, %swap3A_92] {strides = array<i32>} : memref<128x128xi32, #tpu.memory_space<vmem>>, vector<16xi32>,
      tpu.vector_store %arg11[%swap3A_91, %swap3A_92], %shift_right_logical3A_90 {strides = array<i32>} : memref<128x128xi32, #tpu.memory_space<vmem>>, vector<16xi32>,
      %get3A_94 = arith.index_cast %scan3A_51 : i32 to index
      %get3A_95 = arith.constant 32 : index
      %get3A_96 = tpu.vector_load %arg9[%get3A_94, %get3A_95] {strides = array<i32>} : memref<128x128xi32, #tpu.memory_space<vmem>>, vector<16xi32>,
      %gather3A_97 = tpu.vector_load_idx %arg12[%get3A_96] : memref<64xi32, #tpu.memory_space<vmem>>[vector<16xi32>], vector<16xi32>,
      %get3A_98 = arith.index_cast %scan3A_51 : i32 to index
      %get3A_99 = arith.constant 32 : index
      %get3A_100 = tpu.vector_load %arg10[%get3A_98, %get3A_99] {strides = array<i32>} : memref<128x128xi32, #tpu.memory_space<vmem>>, vector<16xi32>,
      %add3A_101 = arith.addi %get3A_100, %gather3A_97 : vector<16xi32>
      %swap3A_102 = arith.index_cast %scan3A_51 : i32 to index
      %swap3A_103 = arith.constant 32 : index
      %swap3A_104 = tpu.vector_load %arg10[%swap3A_102, %swap3A_103] {strides = array<i32>} : memref<128x128xi32, #tpu.memory_space<vmem>>, vector<16xi32>,
      tpu.vector_store %arg10[%swap3A_102, %swap3A_103], %add3A_101 {strides = array<i32>} : memref<128x128xi32, #tpu.memory_space<vmem>>, vector<16xi32>,
      %add3A_105 = arith.constant 32 : i32
      %add3A_106 = vector.broadcast %add3A_105 : i32 to vector<16xi32>
      %add3A_107 = arith.addi %add3A_57, %add3A_106 : vector<16xi32>
      %shift_right_logical3A_108 = arith.constant 3 : i32
      %shift_right_logical3A_109 = vector.broadcast %shift_right_logical3A_108 : i32 to vector<16xi32>
      %shift_right_logical3A_110 = arith.shrui %add3A_107, %shift_right_logical3A_109 : vector<16xi32>
      %swap3A_111 = arith.index_cast %scan3A_51 : i32 to index
      %swap3A_112 = arith.constant 32 : index
      %swap3A_113 = tpu.vector_load %arg11[%swap3A_111, %swap3A_112] {strides = array<i32>} : memref<128x128xi32, #tpu.memory_space<vmem>>, vector<16xi32>,
      tpu.vector_store %arg11[%swap3A_111, %swap3A_112], %shift_right_logical3A_110 {strides = array<i32>} : memref<128x128xi32, #tpu.memory_space<vmem>>, vector<16xi32>,
      %get3A_114 = arith.index_cast %scan3A_51 : i32 to index
      %get3A_115 = arith.constant 48 : index
      %get3A_116 = tpu.vector_load %arg9[%get3A_114, %get3A_115] {strides = array<i32>} : memref<128x128xi32, #tpu.memory_space<vmem>>, vector<16xi32>,
      %gather3A_117 = tpu.vector_load_idx %arg12[%get3A_116] : memref<64xi32, #tpu.memory_space<vmem>>[vector<16xi32>], vector<16xi32>,
      %get3A_118 = arith.index_cast %scan3A_51 : i32 to index
      %get3A_119 = arith.constant 48 : index
      %get3A_120 = tpu.vector_load %arg10[%get3A_118, %get3A_119] {strides = array<i32>} : memref<128x128xi32, #tpu.memory_space<vmem>>, vector<16xi32>,
      %add3A_121 = arith.addi %get3A_120, %gather3A_117 : vector<16xi32>
      %swap3A_122 = arith.index_cast %scan3A_51 : i32 to index
      %swap3A_123 = arith.constant 48 : index
      %swap3A_124 = tpu.vector_load %arg10[%swap3A_122, %swap3A_123] {strides = array<i32>} : memref<128x128xi32, #tpu.memory_space<vmem>>, vector<16xi32>,
      tpu.vector_store %arg10[%swap3A_122, %swap3A_123], %add3A_121 {strides = array<i32>} : memref<128x128xi32, #tpu.memory_space<vmem>>, vector<16xi32>,
      %add3A_125 = arith.constant 48 : i32
      %add3A_126 = vector.broadcast %add3A_125 : i32 to vector<16xi32>
      %add3A_127 = arith.addi %add3A_57, %add3A_126 : vector<16xi32>
      %shift_right_logical3A_128 = arith.constant 3 : i32
      %shift_right_logical3A_129 = vector.broadcast %shift_right_logical3A_128 : i32 to vector<16xi32>
      %shift_right_logical3A_130 = arith.shrui %add3A_127, %shift_right_logical3A_129 : vector<16xi32>
      %swap3A_131 = arith.index_cast %scan3A_51 : i32 to index
      %swap3A_132 = arith.constant 48 : index
      %swap3A_133 = tpu.vector_load %arg11[%swap3A_131, %swap3A_132] {strides = array<i32>} : memref<128x128xi32, #tpu.memory_space<vmem>>, vector<16xi32>,
      tpu.vector_store %arg11[%swap3A_131, %swap3A_132], %shift_right_logical3A_130 {strides = array<i32>} : memref<128x128xi32, #tpu.memory_space<vmem>>, vector<16xi32>,
      %get3A_134 = arith.index_cast %scan3A_51 : i32 to index
      %get3A_135 = arith.constant 64 : index
      %get3A_136 = tpu.vector_load %arg9[%get3A_134, %get3A_135] {strides = array<i32>} : memref<128x128xi32, #tpu.memory_space<vmem>>, vector<16xi32>,
      %gather3A_137 = tpu.vector_load_idx %arg12[%get3A_136] : memref<64xi32, #tpu.memory_space<vmem>>[vector<16xi32>], vector<16xi32>,
      %get3A_138 = arith.index_cast %scan3A_51 : i32 to index
      %get3A_139 = arith.constant 64 : index
      %get3A_140 = tpu.vector_load %arg10[%get3A_138, %get3A_139] {strides = array<i32>} : memref<128x128xi32, #tpu.memory_space<vmem>>, vector<16xi32>,
      %add3A_141 = arith.addi %get3A_140, %gather3A_137 : vector<16xi32>
      %swap3A_142 = arith.index_cast %scan3A_51 : i32 to index
      %swap3A_143 = arith.constant 64 : index
      %swap3A_144 = tpu.vector_load %arg10[%swap3A_142, %swap3A_143] {strides = array<i32>} : memref<128x128xi32, #tpu.memory_space<vmem>>, vector<16xi32>,
      tpu.vector_store %arg10[%swap3A_142, %swap3A_143], %add3A_141 {strides = array<i32>} : memref<128x128xi32, #tpu.memory_space<vmem>>, vector<16xi32>,
      %add3A_145 = arith.constant 64 : i32
      %add3A_146 = vector.broadcast %add3A_145 : i32 to vector<16xi32>
      %add3A_147 = arith.addi %add3A_57, %add3A_146 : vector<16xi32>
      %shift_right_logical3A_148 = arith.constant 3 : i32
      %shift_right_logical3A_149 = vector.broadcast %shift_right_logical3A_148 : i32 to vector<16xi32>
      %shift_right_logical3A_150 = arith.shrui %add3A_147, %shift_right_logical3A_149 : vector<16xi32>
      %swap3A_151 = arith.index_cast %scan3A_51 : i32 to index
      %swap3A_152 = arith.constant 64 : index
      %swap3A_153 = tpu.vector_load %arg11[%swap3A_151, %swap3A_152] {strides = array<i32>} : memref<128x128xi32, #tpu.memory_space<vmem>>, vector<16xi32>,
      tpu.vector_store %arg11[%swap3A_151, %swap3A_152], %shift_right_logical3A_150 {strides = array<i32>} : memref<128x128xi32, #tpu.memory_space<vmem>>, vector<16xi32>,
      %get3A_154 = arith.index_cast %scan3A_51 : i32 to index
      %get3A_155 = arith.constant 80 : index
      %get3A_156 = tpu.vector_load %arg9[%get3A_154, %get3A_155] {strides = array<i32>} : memref<128x128xi32, #tpu.memory_space<vmem>>, vector<16xi32>,
      %gather3A_157 = tpu.vector_load_idx %arg12[%get3A_156] : memref<64xi32, #tpu.memory_space<vmem>>[vector<16xi32>], vector<16xi32>,
      %get3A_158 = arith.index_cast %scan3A_51 : i32 to index
      %get3A_159 = arith.constant 80 : index
      %get3A_160 = tpu.vector_load %arg10[%get3A_158, %get3A_159] {strides = array<i32>} : memref<128x128xi32, #tpu.memory_space<vmem>>, vector<16xi32>,
      %add3A_161 = arith.addi %get3A_160, %gather3A_157 : vector<16xi32>
      %swap3A_162 = arith.index_cast %scan3A_51 : i32 to index
      %swap3A_163 = arith.constant 80 : index
      %swap3A_164 = tpu.vector_load %arg10[%swap3A_162, %swap3A_163] {strides = array<i32>} : memref<128x128xi32, #tpu.memory_space<vmem>>, vector<16xi32>,
      tpu.vector_store %arg10[%swap3A_162, %swap3A_163], %add3A_161 {strides = array<i32>} : memref<128x128xi32, #tpu.memory_space<vmem>>, vector<16xi32>,
      %add3A_165 = arith.constant 80 : i32
      %add3A_166 = vector.broadcast %add3A_165 : i32 to vector<16xi32>
      %add3A_167 = arith.addi %add3A_57, %add3A_166 : vector<16xi32>
      %shift_right_logical3A_168 = arith.constant 3 : i32
      %shift_right_logical3A_169 = vector.broadcast %shift_right_logical3A_168 : i32 to vector<16xi32>
      %shift_right_logical3A_170 = arith.shrui %add3A_167, %shift_right_logical3A_169 : vector<16xi32>
      %swap3A_171 = arith.index_cast %scan3A_51 : i32 to index
      %swap3A_172 = arith.constant 80 : index
      %swap3A_173 = tpu.vector_load %arg11[%swap3A_171, %swap3A_172] {strides = array<i32>} : memref<128x128xi32, #tpu.memory_space<vmem>>, vector<16xi32>,
      tpu.vector_store %arg11[%swap3A_171, %swap3A_172], %shift_right_logical3A_170 {strides = array<i32>} : memref<128x128xi32, #tpu.memory_space<vmem>>, vector<16xi32>,
      %get3A_174 = arith.index_cast %scan3A_51 : i32 to index
      %get3A_175 = arith.constant 96 : index
      %get3A_176 = tpu.vector_load %arg9[%get3A_174, %get3A_175] {strides = array<i32>} : memref<128x128xi32, #tpu.memory_space<vmem>>, vector<16xi32>,
      %gather3A_177 = tpu.vector_load_idx %arg12[%get3A_176] : memref<64xi32, #tpu.memory_space<vmem>>[vector<16xi32>], vector<16xi32>,
      %get3A_178 = arith.index_cast %scan3A_51 : i32 to index
      %get3A_179 = arith.constant 96 : index
      %get3A_180 = tpu.vector_load %arg10[%get3A_178, %get3A_179] {strides = array<i32>} : memref<128x128xi32, #tpu.memory_space<vmem>>, vector<16xi32>,
      %add3A_181 = arith.addi %get3A_180, %gather3A_177 : vector<16xi32>
      %swap3A_182 = arith.index_cast %scan3A_51 : i32 to index
      %swap3A_183 = arith.constant 96 : index
      %swap3A_184 = tpu.vector_load %arg10[%swap3A_182, %swap3A_183] {strides = array<i32>} : memref<128x128xi32, #tpu.memory_space<vmem>>, vector<16xi32>,
      tpu.vector_store %arg10[%swap3A_182, %swap3A_183], %add3A_181 {strides = array<i32>} : memref<128x128xi32, #tpu.memory_space<vmem>>, vector<16xi32>,
      %add3A_185 = arith.constant 96 : i32
      %add3A_186 = vector.broadcast %add3A_185 : i32 to vector<16xi32>
      %add3A_187 = arith.addi %add3A_57, %add3A_186 : vector<16xi32>
      %shift_right_logical3A_188 = arith.constant 3 : i32
      %shift_right_logical3A_189 = vector.broadcast %shift_right_logical3A_188 : i32 to vector<16xi32>
      %shift_right_logical3A_190 = arith.shrui %add3A_187, %shift_right_logical3A_189 : vector<16xi32>
      %swap3A_191 = arith.index_cast %scan3A_51 : i32 to index
      %swap3A_192 = arith.constant 96 : index
      %swap3A_193 = tpu.vector_load %arg11[%swap3A_191, %swap3A_192] {strides = array<i32>} : memref<128x128xi32, #tpu.memory_space<vmem>>, vector<16xi32>,
      tpu.vector_store %arg11[%swap3A_191, %swap3A_192], %shift_right_logical3A_190 {strides = array<i32>} : memref<128x128xi32, #tpu.memory_space<vmem>>, vector<16xi32>,
      %get3A_194 = arith.index_cast %scan3A_51 : i32 to index
      %get3A_195 = arith.constant 112 : index
      %get3A_196 = tpu.vector_load %arg9[%get3A_194, %get3A_195] {strides = array<i32>} : memref<128x128xi32, #tpu.memory_space<vmem>>, vector<16xi32>,
      %gather3A_197 = tpu.vector_load_idx %arg12[%get3A_196] : memref<64xi32, #tpu.memory_space<vmem>>[vector<16xi32>], vector<16xi32>,
      %get3A_198 = arith.index_cast %scan3A_51 : i32 to index
      %get3A_199 = arith.constant 112 : index
      %get3A_200 = tpu.vector_load %arg10[%get3A_198, %get3A_199] {strides = array<i32>} : memref<128x128xi32, #tpu.memory_space<vmem>>, vector<16xi32>,
      %add3A_201 = arith.addi %get3A_200, %gather3A_197 : vector<16xi32>
      %swap3A_202 = arith.index_cast %scan3A_51 : i32 to index
      %swap3A_203 = arith.constant 112 : index
      %swap3A_204 = tpu.vector_load %arg10[%swap3A_202, %swap3A_203] {strides = array<i32>} : memref<128x128xi32, #tpu.memory_space<vmem>>, vector<16xi32>,
      tpu.vector_store %arg10[%swap3A_202, %swap3A_203], %add3A_201 {strides = array<i32>} : memref<128x128xi32, #tpu.memory_space<vmem>>, vector<16xi32>,
      %add3A_205 = arith.constant 112 : i32
      %add3A_206 = vector.broadcast %add3A_205 : i32 to vector<16xi32>
      %add3A_207 = arith.addi %add3A_57, %add3A_206 : vector<16xi32>
      %shift_right_logical3A_208 = arith.constant 3 : i32
      %shift_right_logical3A_209 = vector.broadcast %shift_right_logical3A_208 : i32 to vector<16xi32>
      %shift_right_logical3A_210 = arith.shrui %add3A_207, %shift_right_logical3A_209 : vector<16xi32>
      %swap3A_211 = arith.index_cast %scan3A_51 : i32 to index
      %swap3A_212 = arith.constant 112 : index
      %swap3A_213 = tpu.vector_load %arg11[%swap3A_211, %swap3A_212] {strides = array<i32>} : memref<128x128xi32, #tpu.memory_space<vmem>>, vector<16xi32>,
      tpu.vector_store %arg11[%swap3A_211, %swap3A_212], %shift_right_logical3A_210 {strides = array<i32>} : memref<128x128xi32, #tpu.memory_space<vmem>>, vector<16xi32>,
      %dma_start3A_214 = arith.constant 0 : i32
      %dma_start3A_215 = tpu.memref_slice %arg8[%scan3A_51, %dma_start3A_214] : memref<128x128xf32, #tpu.memory_space<vmem>> -> memref<1x128xf32, #tpu.memory_space<vmem>>
      %dma_start3A_216 = tpu.memref_squeeze %dma_start3A_215 : memref<1x128xf32, #tpu.memory_space<vmem>> -> memref<128xf32, #tpu.memory_space<vmem>>
      %dma_start3A_217 = arith.constant 0 : i32
      %dma_start3A_218 = tpu.memref_slice %arg10[%scan3A_51, %dma_start3A_217] : memref<128x128xi32, #tpu.memory_space<vmem>> -> memref<1x128xi32, #tpu.memory_space<vmem>>
      %dma_start3A_219 = tpu.memref_squeeze %dma_start3A_218 : memref<1x128xi32, #tpu.memory_space<vmem>> -> memref<128xi32, #tpu.memory_space<vmem>>
      %dma_start3A_220 = arith.constant 0 : i32
      %dma_start3A_221 = tpu.memref_slice %arg15[%dma_start3A_220] : memref<262144xf32, #tpu.memory_space<vmem_shared>> -> memref<262144xf32, #tpu.memory_space<vmem_shared>>
      tpu.enqueue_indirect_dma source(%dma_start3A_216 : memref<128xf32, #tpu.memory_space<vmem>>) target(%dma_start3A_221 : memref<262144xf32, #tpu.memory_space<vmem_shared>>) offsets(%dma_start3A_219 : memref<128xi32, #tpu.memory_space<vmem>>) semaphore(%arg17 : memref<!tpu.dma_semaphore, #tpu.memory_space<semaphore_mem>>)
      %dma_start3A_222 = arith.constant 0 : i32
      %dma_start3A_223 = tpu.memref_slice %arg11[%scan3A_51, %dma_start3A_222] : memref<128x128xi32, #tpu.memory_space<vmem>> -> memref<1x128xi32, #tpu.memory_space<vmem>>
      %dma_start3A_224 = tpu.memref_squeeze %dma_start3A_223 : memref<1x128xi32, #tpu.memory_space<vmem>> -> memref<128xi32, #tpu.memory_space<vmem>>
      %dma_start3A_225 = arith.constant 0 : i32
      %dma_start3A_226 = tpu.memref_slice %arg10[%scan3A_51, %dma_start3A_225] : memref<128x128xi32, #tpu.memory_space<vmem>> -> memref<1x128xi32, #tpu.memory_space<vmem>>
      %dma_start3A_227 = tpu.memref_squeeze %dma_start3A_226 : memref<1x128xi32, #tpu.memory_space<vmem>> -> memref<128xi32, #tpu.memory_space<vmem>>
      %dma_start3A_228 = arith.constant 0 : i32
      %dma_start3A_229 = tpu.memref_slice %arg16[%dma_start3A_228] : memref<262144xi32, #tpu.memory_space<vmem_shared>> -> memref<262144xi32, #tpu.memory_space<vmem_shared>>
      tpu.enqueue_indirect_dma source(%dma_start3A_224 : memref<128xi32, #tpu.memory_space<vmem>>) target(%dma_start3A_229 : memref<262144xi32, #tpu.memory_space<vmem_shared>>) offsets(%dma_start3A_227 : memref<128xi32, #tpu.memory_space<vmem>>) semaphore(%arg18 : memref<!tpu.dma_semaphore, #tpu.memory_space<semaphore_mem>>)
      %scan3A_230 = arith.constant 0 : i32
      scf.yield %scan3A_230 : i32
    }
    %scan3A_30 = arith.constant 128 : i32
    %dma_wait3A_31 = arith.constant 0 : i32
    %dma_wait3A_32 = tpu.memref_slice %arg2[%mul3A_0, %dma_wait3A_31] : memref<2048x128xf32, #tpu.memory_space<hbm>> -> memref<128x128xf32, #tpu.memory_space<hbm>>
    %dma_wait3A_33 = arith.constant 0 : i32
    %dma_wait3A_34 = tpu.memref_slice %arg2[%mul3A_0, %dma_wait3A_33] : memref<2048x128xf32, #tpu.memory_space<hbm>> -> memref<128x128xf32, #tpu.memory_space<hbm>>
    tpu.wait_dma2 semaphore(%arg17 : memref<!tpu.dma_semaphore, #tpu.memory_space<semaphore_mem>>) src(%dma_wait3A_34 : memref<128x128xf32, #tpu.memory_space<hbm>>) dst(%arg8 : memref<128x128xf32, #tpu.memory_space<vmem>>)
    %dma_wait3A_35 = arith.constant 0 : i32
    %dma_wait3A_36 = tpu.memref_slice %arg4[%mul3A_0, %dma_wait3A_35] : memref<2048x128xi32, #tpu.memory_space<hbm>> -> memref<128x128xi32, #tpu.memory_space<hbm>>
    %dma_wait3A_37 = arith.constant 0 : i32
    %dma_wait3A_38 = tpu.memref_slice %arg4[%mul3A_0, %dma_wait3A_37] : memref<2048x128xi32, #tpu.memory_space<hbm>> -> memref<128x128xi32, #tpu.memory_space<hbm>>
    tpu.wait_dma2 semaphore(%arg18 : memref<!tpu.dma_semaphore, #tpu.memory_space<semaphore_mem>>) src(%dma_wait3A_38 : memref<128x128xi32, #tpu.memory_space<hbm>>) dst(%arg11 : memref<128x128xi32, #tpu.memory_space<vmem>>)
    %barrier3A = arith.constant 0 : index
    tpu.barrier barrier_id(%barrier3A)
    %mul3A_39 = arith.constant 131072 : i32
    %mul3A_40 = arith.muli %arg0, %mul3A_39 : i32
    %mul3A_41 = arith.constant 8192 : i32
    %mul3A_42 = arith.muli %arg1, %mul3A_41 : i32
    %add3A = arith.addi %mul3A_40, %mul3A_42 : i32
    "tpu.region"() ({
      %run_scoped3A = tpu.sem_alloc : memref<!tpu.dma_semaphore, #tpu.memory_space<semaphore_mem>>
      %dma_start3A_51 = tpu.memref_slice %arg15[%add3A] : memref<262144xf32, #tpu.memory_space<vmem_shared>> -> memref<8192xf32, #tpu.memory_space<vmem_shared>>
      %dma_start3A_52 = tpu.memref_slice %arg15[%add3A] : memref<262144xf32, #tpu.memory_space<vmem_shared>> -> memref<8192xf32, #tpu.memory_space<vmem_shared>>
      tpu.enqueue_dma source(%dma_start3A_52 : memref<8192xf32, #tpu.memory_space<vmem_shared>>) target(%arg13 : memref<8192xf32, #tpu.memory_space<vmem>>) target_semaphore(%run_scoped3A : memref<!tpu.dma_semaphore, #tpu.memory_space<semaphore_mem>>)
      %dma_wait3A_53 = tpu.memref_slice %arg15[%add3A] : memref<262144xf32, #tpu.memory_space<vmem_shared>> -> memref<8192xf32, #tpu.memory_space<vmem_shared>>
      %dma_wait3A_54 = tpu.memref_slice %arg15[%add3A] : memref<262144xf32, #tpu.memory_space<vmem_shared>> -> memref<8192xf32, #tpu.memory_space<vmem_shared>>
      tpu.wait_dma2 semaphore(%run_scoped3A : memref<!tpu.dma_semaphore, #tpu.memory_space<semaphore_mem>>) src(%dma_wait3A_54 : memref<8192xf32, #tpu.memory_space<vmem_shared>>) dst(%arg13 : memref<8192xf32, #tpu.memory_space<vmem>>)
      tpu.yield
    }) : () -> ()
    "tpu.region"() ({
      %run_scoped3A = tpu.sem_alloc : memref<!tpu.dma_semaphore, #tpu.memory_space<semaphore_mem>>
      %dma_start3A_51 = tpu.memref_slice %arg16[%add3A] : memref<262144xi32, #tpu.memory_space<vmem_shared>> -> memref<8192xi32, #tpu.memory_space<vmem_shared>>
      %dma_start3A_52 = tpu.memref_slice %arg16[%add3A] : memref<262144xi32, #tpu.memory_space<vmem_shared>> -> memref<8192xi32, #tpu.memory_space<vmem_shared>>
      tpu.enqueue_dma source(%dma_start3A_52 : memref<8192xi32, #tpu.memory_space<vmem_shared>>) target(%arg14 : memref<8192xi32, #tpu.memory_space<vmem>>) target_semaphore(%run_scoped3A : memref<!tpu.dma_semaphore, #tpu.memory_space<semaphore_mem>>)
      %dma_wait3A_53 = tpu.memref_slice %arg16[%add3A] : memref<262144xi32, #tpu.memory_space<vmem_shared>> -> memref<8192xi32, #tpu.memory_space<vmem_shared>>
      %dma_wait3A_54 = tpu.memref_slice %arg16[%add3A] : memref<262144xi32, #tpu.memory_space<vmem_shared>> -> memref<8192xi32, #tpu.memory_space<vmem_shared>>
      tpu.wait_dma2 semaphore(%run_scoped3A : memref<!tpu.dma_semaphore, #tpu.memory_space<semaphore_mem>>) src(%dma_wait3A_54 : memref<8192xi32, #tpu.memory_space<vmem_shared>>) dst(%arg14 : memref<8192xi32, #tpu.memory_space<vmem>>)
      tpu.yield
    }) : () -> ()
    %dma_start3A_43 = tpu.memref_slice %arg6[%add3A] : memref<262144xf32, #tpu.memory_space<hbm>> -> memref<8192xf32, #tpu.memory_space<hbm>>
    %dma_start3A_44 = tpu.memref_slice %arg6[%add3A] : memref<262144xf32, #tpu.memory_space<hbm>> -> memref<8192xf32, #tpu.memory_space<hbm>>
    tpu.enqueue_dma source(%arg13 : memref<8192xf32, #tpu.memory_space<vmem>>) target(%dma_start3A_44 : memref<8192xf32, #tpu.memory_space<hbm>>) target_semaphore(%arg17 : memref<!tpu.dma_semaphore, #tpu.memory_space<semaphore_mem>>)
    %dma_start3A_45 = tpu.memref_slice %arg7[%add3A] : memref<262144xi32, #tpu.memory_space<hbm>> -> memref<8192xi32, #tpu.memory_space<hbm>>
    %dma_start3A_46 = tpu.memref_slice %arg7[%add3A] : memref<262144xi32, #tpu.memory_space<hbm>> -> memref<8192xi32, #tpu.memory_space<hbm>>
    tpu.enqueue_dma source(%arg14 : memref<8192xi32, #tpu.memory_space<vmem>>) target(%dma_start3A_46 : memref<8192xi32, #tpu.memory_space<hbm>>) target_semaphore(%arg18 : memref<!tpu.dma_semaphore, #tpu.memory_space<semaphore_mem>>)
    %dma_wait3A_47 = tpu.memref_slice %arg6[%add3A] : memref<262144xf32, #tpu.memory_space<hbm>> -> memref<8192xf32, #tpu.memory_space<hbm>>
    %dma_wait3A_48 = tpu.memref_slice %arg6[%add3A] : memref<262144xf32, #tpu.memory_space<hbm>> -> memref<8192xf32, #tpu.memory_space<hbm>>
    tpu.wait_dma2 semaphore(%arg17 : memref<!tpu.dma_semaphore, #tpu.memory_space<semaphore_mem>>) src(%arg13 : memref<8192xf32, #tpu.memory_space<vmem>>) dst(%dma_wait3A_48 : memref<8192xf32, #tpu.memory_space<hbm>>)
    %dma_wait3A_49 = tpu.memref_slice %arg7[%add3A] : memref<262144xi32, #tpu.memory_space<hbm>> -> memref<8192xi32, #tpu.memory_space<hbm>>
    %dma_wait3A_50 = tpu.memref_slice %arg7[%add3A] : memref<262144xi32, #tpu.memory_space<hbm>> -> memref<8192xi32, #tpu.memory_space<hbm>>
    tpu.wait_dma2 semaphore(%arg18 : memref<!tpu.dma_semaphore, #tpu.memory_space<semaphore_mem>>) src(%arg14 : memref<8192xi32, #tpu.memory_space<vmem>>) dst(%dma_wait3A_50 : memref<8192xi32, #tpu.memory_space<hbm>>)
    return
  }
}

module attributes {stable_mosaic.version = 14 : i64} {
  func.func @_tc_body(%arg0: i32, %arg1: memref<512x768xf32, #tpu.memory_space<vmem>>, %arg2: memref<8x64xf32, #tpu.memory_space<vmem>>, %arg3: memref<768x64xf32, #tpu.memory_space<vmem>>, %arg4: memref<512x8xf32, #tpu.memory_space<vmem>>, %arg5: memref<512x8xi32, #tpu.memory_space<vmem>>, %arg6: memref<512x8xi32, #tpu.memory_space<vmem>>, %arg7: memref<8x64xi32, #tpu.memory_space<vmem>>, %arg8: memref<8x64xi32, #tpu.memory_space<vmem>>, %arg9: memref<8x64xf32, #tpu.memory_space<vmem>>, %arg10: memref<512x512xbf16, #tpu.memory_space<vmem>>) attributes {dimension_semantics = [#tpu.dimension_semantics<arbitrary>], iteration_bounds = array<i64: 64>, scalar_prefetch = 0 : i64, scratch_operands = 2 : i64, tpu.core_type = #tpu.core_type<tc>, window_params = [{transform_indices = @transform_0, window_bounds = array<i64: 512, 768>}, {pipeline_mode = #tpu.pipeline_mode<synchronous>, transform_indices = @transform_1, window_bounds = array<i64: 8, 64>}, {pipeline_mode = #tpu.pipeline_mode<synchronous>, transform_indices = @transform_2, window_bounds = array<i64: 768, 64>}, {transform_indices = @transform_3, window_bounds = array<i64: 512, 8>}, {transform_indices = @transform_4, window_bounds = array<i64: 512, 8>}, {transform_indices = @transform_5, window_bounds = array<i64: 512, 8>}, {pipeline_mode = #tpu.pipeline_mode<synchronous>, transform_indices = @transform_6, window_bounds = array<i64: 8, 64>}, {pipeline_mode = #tpu.pipeline_mode<synchronous>, transform_indices = @transform_7, window_bounds = array<i64: 8, 64>}]} {
    %eq3A = arith.constant 0 : i32
    %eq3A_0 = arith.cmpi eq, %arg0, %eq3A : i32
    %convert_element_type3A = arith.extui %eq3A_0 : i1 to i32
    %cond3A = arith.constant 0 : i32
    %cond3A_1 = arith.cmpi ne, %convert_element_type3A, %cond3A : i32
    scf.if %cond3A_1 {
      %broadcast_in_dim3A_326 = arith.constant 0.000000e+00 : f32
      %broadcast_in_dim3A_327 = vector.broadcast %broadcast_in_dim3A_326 : f32 to vector<8x64xf32>
      %swap3A_328 = arith.constant 0 : index
      %swap3A_329 = arith.constant 0 : index
      %swap3A_330 = vector.load %arg9[%swap3A_328, %swap3A_329] : memref<8x64xf32, #tpu.memory_space<vmem>>, vector<8x64xf32>
      tpu.vector_store %arg9[%swap3A_328, %swap3A_329], %broadcast_in_dim3A_327 {strides = array<i32>} : memref<8x64xf32, #tpu.memory_space<vmem>>, vector<8x64xf32>,
      %iota3A_331 = tpu.iota {dimensions = array<i32: 0>} : vector<512x512xi32>
      %iota3A_332 = tpu.iota {dimensions = array<i32: 1>} : vector<512x512xi32>
      %lt3A = arith.cmpi slt, %iota3A_332, %iota3A_331 : vector<512x512xi32>
      %convert_element_type3A_333 = arith.extui %lt3A : vector<512x512xi1> to vector<512x512xi32>
      %convert_element_type3A_334 = arith.sitofp %convert_element_type3A_333 : vector<512x512xi32> to vector<512x512xf32>
      %convert_element_type3A_335 = arith.truncf %convert_element_type3A_334 : vector<512x512xf32> to vector<512x512xbf16>
      %swap3A_336 = arith.constant 0 : index
      %swap3A_337 = arith.constant 0 : index
      %swap3A_338 = vector.load %arg10[%swap3A_336, %swap3A_337] : memref<512x512xbf16, #tpu.memory_space<vmem>>, vector<512x512xbf16>
      tpu.vector_store %arg10[%swap3A_336, %swap3A_337], %convert_element_type3A_335 {strides = array<i32>} : memref<512x512xbf16, #tpu.memory_space<vmem>>, vector<512x512xbf16>,
    } else {
    }
    %get3A = arith.constant 0 : index
    %get3A_2 = arith.constant 0 : index
    %get3A_3 = vector.load %arg1[%get3A, %get3A_2] : memref<512x768xf32, #tpu.memory_space<vmem>>, vector<512x768xf32>
    %get3A_4 = arith.constant 0 : index
    %get3A_5 = arith.constant 0 : index
    %get3A_6 = vector.load %arg3[%get3A_4, %get3A_5] : memref<768x64xf32, #tpu.memory_space<vmem>>, vector<768x64xf32>
    %dot_general3A = arith.constant dense<0.000000e+00> : vector<512x64xf32>
    %dot_general3A_7 = tpu.matmul %get3A_3, %get3A_6, %dot_general3A {dimension_numbers = #tpu.dot_dimension_numbers<[1], [0], [0], [1], [0, 0, 1, 1], [], []>, transpose_lhs_hint = false} : vector<512x768xf32>, vector<768x64xf32>, vector<512x64xf32> -> vector<512x64xf32>
    %reduce_max3A = arith.constant dense<0xFF800000> : vector<512xf32>
    %reduce_max3A_8 = vector.multi_reduction <maximumf>, %dot_general3A_7, %reduce_max3A [1] : vector<512x64xf32> to vector<512xf32>
    %broadcast_in_dim3A = vector.shape_cast %reduce_max3A_8 : vector<512xf32> to vector<512x1xf32>
    %sub3A = vector.broadcast %broadcast_in_dim3A : vector<512x1xf32> to vector<512x64xf32>
    %sub3A_9 = arith.subf %dot_general3A_7, %sub3A : vector<512x64xf32>
    %exp3A = math.exp %sub3A_9 : vector<512x64xf32>
    %reduce_sum3A = arith.constant dense<0.000000e+00> : vector<512xf32>
    %reduce_sum3A_10 = vector.multi_reduction <add>, %exp3A, %reduce_sum3A [1] : vector<512x64xf32> to vector<512xf32>
    %broadcast_in_dim3A_11 = vector.shape_cast %reduce_sum3A_10 : vector<512xf32> to vector<512x1xf32>
    %div3A = arith.constant 1.000000e+00 : f32
    %div3A_12 = vector.broadcast %div3A : f32 to vector<512x1xf32>
    %div3A_13 = arith.divf %div3A_12, %broadcast_in_dim3A_11 : vector<512x1xf32>
    %mul3A = vector.broadcast %div3A_13 : vector<512x1xf32> to vector<512x64xf32>
    %mul3A_14 = arith.mulf %exp3A, %mul3A : vector<512x64xf32>
    %get3A_15 = arith.constant 0 : index
    %get3A_16 = arith.constant 0 : index
    %get3A_17 = vector.load %arg2[%get3A_15, %get3A_16] : memref<8x64xf32, #tpu.memory_space<vmem>>, vector<1x64xf32>
    %add3A = vector.broadcast %get3A_17 : vector<1x64xf32> to vector<512x64xf32>
    %add3A_18 = arith.addf %mul3A_14, %add3A : vector<512x64xf32>
    %iota3A = tpu.iota {dimensions = array<i32: 1>} : vector<512x64xi32>
    %convert_element_type3A_19 = arith.sitofp %iota3A : vector<512x64xi32> to vector<512x64xf32>
    %broadcast_in_dim3A_20 = arith.constant 0.000000e+00 : f32
    %broadcast_in_dim3A_21 = vector.broadcast %broadcast_in_dim3A_20 : f32 to vector<512x64xf32>
    %reduce_max3A_22 = arith.constant dense<0xFF800000> : vector<512xf32>
    %reduce_max3A_23 = vector.multi_reduction <maximumf>, %add3A_18, %reduce_max3A_22 [1] : vector<512x64xf32> to vector<512xf32>
    %broadcast_in_dim3A_24 = vector.shape_cast %reduce_max3A_23 : vector<512xf32> to vector<512x1xf32>
    %eq3A_25 = vector.broadcast %broadcast_in_dim3A_24 : vector<512x1xf32> to vector<512x64xf32>
    %eq3A_26 = arith.cmpf oeq, %add3A_18, %eq3A_25 : vector<512x64xf32>
    %jit3A = arith.constant 6.400000e+01 : f32
    %broadcast_in_dim3A_27 = vector.broadcast %jit3A : f32 to vector<512x64xf32>
    %select_n3A = arith.select %eq3A_26, %convert_element_type3A_19, %broadcast_in_dim3A_27 : vector<512x64xi1>, vector<512x64xf32>
    %reduce_min3A = arith.constant dense<0x7F800000> : vector<512xf32>
    %reduce_min3A_28 = vector.multi_reduction <minimumf>, %select_n3A, %reduce_min3A [1] : vector<512x64xf32> to vector<512xf32>
    %broadcast_in_dim3A_29 = vector.shape_cast %reduce_min3A_28 : vector<512xf32> to vector<512x1xf32>
    %eq3A_30 = vector.broadcast %broadcast_in_dim3A_29 : vector<512x1xf32> to vector<512x64xf32>
    %eq3A_31 = arith.cmpf oeq, %convert_element_type3A_19, %eq3A_30 : vector<512x64xf32>
    %jit3A_32 = arith.constant 0.000000e+00 : f32
    %broadcast_in_dim3A_33 = vector.broadcast %jit3A_32 : f32 to vector<512x64xf32>
    %select_n3A_34 = arith.select %eq3A_31, %mul3A_14, %broadcast_in_dim3A_33 : vector<512x64xi1>, vector<512x64xf32>
    %reduce_sum3A_35 = arith.constant dense<0.000000e+00> : vector<512xf32>
    %reduce_sum3A_36 = vector.multi_reduction <add>, %select_n3A_34, %reduce_sum3A_35 [1] : vector<512x64xf32> to vector<512xf32>
    %broadcast_in_dim3A_37 = vector.shape_cast %reduce_sum3A_36 : vector<512xf32> to vector<512x1xf32>
    %jit3A_38 = arith.constant 0xFF800000 : f32
    %broadcast_in_dim3A_39 = vector.broadcast %jit3A_38 : f32 to vector<512x64xf32>
    %select_n3A_40 = arith.select %eq3A_31, %broadcast_in_dim3A_39, %add3A_18 : vector<512x64xi1>, vector<512x64xf32>
    %convert_element_type3A_41 = arith.extui %eq3A_31 : vector<512x64xi1> to vector<512x64xi32>
    %convert_element_type3A_42 = arith.sitofp %convert_element_type3A_41 : vector<512x64xi32> to vector<512x64xf32>
    %add3A_43 = arith.addf %broadcast_in_dim3A_21, %convert_element_type3A_42 : vector<512x64xf32>
    %reduce_max3A_44 = arith.constant dense<0xFF800000> : vector<512xf32>
    %reduce_max3A_45 = vector.multi_reduction <maximumf>, %select_n3A_40, %reduce_max3A_44 [1] : vector<512x64xf32> to vector<512xf32>
    %broadcast_in_dim3A_46 = vector.shape_cast %reduce_max3A_45 : vector<512xf32> to vector<512x1xf32>
    %eq3A_47 = vector.broadcast %broadcast_in_dim3A_46 : vector<512x1xf32> to vector<512x64xf32>
    %eq3A_48 = arith.cmpf oeq, %select_n3A_40, %eq3A_47 : vector<512x64xf32>
    %jit3A_49 = arith.constant 6.400000e+01 : f32
    %broadcast_in_dim3A_50 = vector.broadcast %jit3A_49 : f32 to vector<512x64xf32>
    %select_n3A_51 = arith.select %eq3A_48, %convert_element_type3A_19, %broadcast_in_dim3A_50 : vector<512x64xi1>, vector<512x64xf32>
    %reduce_min3A_52 = arith.constant dense<0x7F800000> : vector<512xf32>
    %reduce_min3A_53 = vector.multi_reduction <minimumf>, %select_n3A_51, %reduce_min3A_52 [1] : vector<512x64xf32> to vector<512xf32>
    %broadcast_in_dim3A_54 = vector.shape_cast %reduce_min3A_53 : vector<512xf32> to vector<512x1xf32>
    %eq3A_55 = vector.broadcast %broadcast_in_dim3A_54 : vector<512x1xf32> to vector<512x64xf32>
    %eq3A_56 = arith.cmpf oeq, %convert_element_type3A_19, %eq3A_55 : vector<512x64xf32>
    %jit3A_57 = arith.constant 0.000000e+00 : f32
    %broadcast_in_dim3A_58 = vector.broadcast %jit3A_57 : f32 to vector<512x64xf32>
    %select_n3A_59 = arith.select %eq3A_56, %mul3A_14, %broadcast_in_dim3A_58 : vector<512x64xi1>, vector<512x64xf32>
    %reduce_sum3A_60 = arith.constant dense<0.000000e+00> : vector<512xf32>
    %reduce_sum3A_61 = vector.multi_reduction <add>, %select_n3A_59, %reduce_sum3A_60 [1] : vector<512x64xf32> to vector<512xf32>
    %broadcast_in_dim3A_62 = vector.shape_cast %reduce_sum3A_61 : vector<512xf32> to vector<512x1xf32>
    %jit3A_63 = arith.constant 0xFF800000 : f32
    %broadcast_in_dim3A_64 = vector.broadcast %jit3A_63 : f32 to vector<512x64xf32>
    %select_n3A_65 = arith.select %eq3A_56, %broadcast_in_dim3A_64, %select_n3A_40 : vector<512x64xi1>, vector<512x64xf32>
    %convert_element_type3A_66 = arith.extui %eq3A_56 : vector<512x64xi1> to vector<512x64xi32>
    %convert_element_type3A_67 = arith.sitofp %convert_element_type3A_66 : vector<512x64xi32> to vector<512x64xf32>
    %add3A_68 = arith.addf %add3A_43, %convert_element_type3A_67 : vector<512x64xf32>
    %reduce_max3A_69 = arith.constant dense<0xFF800000> : vector<512xf32>
    %reduce_max3A_70 = vector.multi_reduction <maximumf>, %select_n3A_65, %reduce_max3A_69 [1] : vector<512x64xf32> to vector<512xf32>
    %broadcast_in_dim3A_71 = vector.shape_cast %reduce_max3A_70 : vector<512xf32> to vector<512x1xf32>
    %eq3A_72 = vector.broadcast %broadcast_in_dim3A_71 : vector<512x1xf32> to vector<512x64xf32>
    %eq3A_73 = arith.cmpf oeq, %select_n3A_65, %eq3A_72 : vector<512x64xf32>
    %jit3A_74 = arith.constant 6.400000e+01 : f32
    %broadcast_in_dim3A_75 = vector.broadcast %jit3A_74 : f32 to vector<512x64xf32>
    %select_n3A_76 = arith.select %eq3A_73, %convert_element_type3A_19, %broadcast_in_dim3A_75 : vector<512x64xi1>, vector<512x64xf32>
    %reduce_min3A_77 = arith.constant dense<0x7F800000> : vector<512xf32>
    %reduce_min3A_78 = vector.multi_reduction <minimumf>, %select_n3A_76, %reduce_min3A_77 [1] : vector<512x64xf32> to vector<512xf32>
    %broadcast_in_dim3A_79 = vector.shape_cast %reduce_min3A_78 : vector<512xf32> to vector<512x1xf32>
    %eq3A_80 = vector.broadcast %broadcast_in_dim3A_79 : vector<512x1xf32> to vector<512x64xf32>
    %eq3A_81 = arith.cmpf oeq, %convert_element_type3A_19, %eq3A_80 : vector<512x64xf32>
    %jit3A_82 = arith.constant 0.000000e+00 : f32
    %broadcast_in_dim3A_83 = vector.broadcast %jit3A_82 : f32 to vector<512x64xf32>
    %select_n3A_84 = arith.select %eq3A_81, %mul3A_14, %broadcast_in_dim3A_83 : vector<512x64xi1>, vector<512x64xf32>
    %reduce_sum3A_85 = arith.constant dense<0.000000e+00> : vector<512xf32>
    %reduce_sum3A_86 = vector.multi_reduction <add>, %select_n3A_84, %reduce_sum3A_85 [1] : vector<512x64xf32> to vector<512xf32>
    %broadcast_in_dim3A_87 = vector.shape_cast %reduce_sum3A_86 : vector<512xf32> to vector<512x1xf32>
    %jit3A_88 = arith.constant 0xFF800000 : f32
    %broadcast_in_dim3A_89 = vector.broadcast %jit3A_88 : f32 to vector<512x64xf32>
    %select_n3A_90 = arith.select %eq3A_81, %broadcast_in_dim3A_89, %select_n3A_65 : vector<512x64xi1>, vector<512x64xf32>
    %convert_element_type3A_91 = arith.extui %eq3A_81 : vector<512x64xi1> to vector<512x64xi32>
    %convert_element_type3A_92 = arith.sitofp %convert_element_type3A_91 : vector<512x64xi32> to vector<512x64xf32>
    %add3A_93 = arith.addf %add3A_68, %convert_element_type3A_92 : vector<512x64xf32>
    %reduce_max3A_94 = arith.constant dense<0xFF800000> : vector<512xf32>
    %reduce_max3A_95 = vector.multi_reduction <maximumf>, %select_n3A_90, %reduce_max3A_94 [1] : vector<512x64xf32> to vector<512xf32>
    %broadcast_in_dim3A_96 = vector.shape_cast %reduce_max3A_95 : vector<512xf32> to vector<512x1xf32>
    %eq3A_97 = vector.broadcast %broadcast_in_dim3A_96 : vector<512x1xf32> to vector<512x64xf32>
    %eq3A_98 = arith.cmpf oeq, %select_n3A_90, %eq3A_97 : vector<512x64xf32>
    %jit3A_99 = arith.constant 6.400000e+01 : f32
    %broadcast_in_dim3A_100 = vector.broadcast %jit3A_99 : f32 to vector<512x64xf32>
    %select_n3A_101 = arith.select %eq3A_98, %convert_element_type3A_19, %broadcast_in_dim3A_100 : vector<512x64xi1>, vector<512x64xf32>
    %reduce_min3A_102 = arith.constant dense<0x7F800000> : vector<512xf32>
    %reduce_min3A_103 = vector.multi_reduction <minimumf>, %select_n3A_101, %reduce_min3A_102 [1] : vector<512x64xf32> to vector<512xf32>
    %broadcast_in_dim3A_104 = vector.shape_cast %reduce_min3A_103 : vector<512xf32> to vector<512x1xf32>
    %eq3A_105 = vector.broadcast %broadcast_in_dim3A_104 : vector<512x1xf32> to vector<512x64xf32>
    %eq3A_106 = arith.cmpf oeq, %convert_element_type3A_19, %eq3A_105 : vector<512x64xf32>
    %jit3A_107 = arith.constant 0.000000e+00 : f32
    %broadcast_in_dim3A_108 = vector.broadcast %jit3A_107 : f32 to vector<512x64xf32>
    %select_n3A_109 = arith.select %eq3A_106, %mul3A_14, %broadcast_in_dim3A_108 : vector<512x64xi1>, vector<512x64xf32>
    %reduce_sum3A_110 = arith.constant dense<0.000000e+00> : vector<512xf32>
    %reduce_sum3A_111 = vector.multi_reduction <add>, %select_n3A_109, %reduce_sum3A_110 [1] : vector<512x64xf32> to vector<512xf32>
    %broadcast_in_dim3A_112 = vector.shape_cast %reduce_sum3A_111 : vector<512xf32> to vector<512x1xf32>
    %jit3A_113 = arith.constant 0xFF800000 : f32
    %broadcast_in_dim3A_114 = vector.broadcast %jit3A_113 : f32 to vector<512x64xf32>
    %select_n3A_115 = arith.select %eq3A_106, %broadcast_in_dim3A_114, %select_n3A_90 : vector<512x64xi1>, vector<512x64xf32>
    %convert_element_type3A_116 = arith.extui %eq3A_106 : vector<512x64xi1> to vector<512x64xi32>
    %convert_element_type3A_117 = arith.sitofp %convert_element_type3A_116 : vector<512x64xi32> to vector<512x64xf32>
    %add3A_118 = arith.addf %add3A_93, %convert_element_type3A_117 : vector<512x64xf32>
    %reduce_max3A_119 = arith.constant dense<0xFF800000> : vector<512xf32>
    %reduce_max3A_120 = vector.multi_reduction <maximumf>, %select_n3A_115, %reduce_max3A_119 [1] : vector<512x64xf32> to vector<512xf32>
    %broadcast_in_dim3A_121 = vector.shape_cast %reduce_max3A_120 : vector<512xf32> to vector<512x1xf32>
    %eq3A_122 = vector.broadcast %broadcast_in_dim3A_121 : vector<512x1xf32> to vector<512x64xf32>
    %eq3A_123 = arith.cmpf oeq, %select_n3A_115, %eq3A_122 : vector<512x64xf32>
    %jit3A_124 = arith.constant 6.400000e+01 : f32
    %broadcast_in_dim3A_125 = vector.broadcast %jit3A_124 : f32 to vector<512x64xf32>
    %select_n3A_126 = arith.select %eq3A_123, %convert_element_type3A_19, %broadcast_in_dim3A_125 : vector<512x64xi1>, vector<512x64xf32>
    %reduce_min3A_127 = arith.constant dense<0x7F800000> : vector<512xf32>
    %reduce_min3A_128 = vector.multi_reduction <minimumf>, %select_n3A_126, %reduce_min3A_127 [1] : vector<512x64xf32> to vector<512xf32>
    %broadcast_in_dim3A_129 = vector.shape_cast %reduce_min3A_128 : vector<512xf32> to vector<512x1xf32>
    %eq3A_130 = vector.broadcast %broadcast_in_dim3A_129 : vector<512x1xf32> to vector<512x64xf32>
    %eq3A_131 = arith.cmpf oeq, %convert_element_type3A_19, %eq3A_130 : vector<512x64xf32>
    %jit3A_132 = arith.constant 0.000000e+00 : f32
    %broadcast_in_dim3A_133 = vector.broadcast %jit3A_132 : f32 to vector<512x64xf32>
    %select_n3A_134 = arith.select %eq3A_131, %mul3A_14, %broadcast_in_dim3A_133 : vector<512x64xi1>, vector<512x64xf32>
    %reduce_sum3A_135 = arith.constant dense<0.000000e+00> : vector<512xf32>
    %reduce_sum3A_136 = vector.multi_reduction <add>, %select_n3A_134, %reduce_sum3A_135 [1] : vector<512x64xf32> to vector<512xf32>
    %broadcast_in_dim3A_137 = vector.shape_cast %reduce_sum3A_136 : vector<512xf32> to vector<512x1xf32>
    %jit3A_138 = arith.constant 0xFF800000 : f32
    %broadcast_in_dim3A_139 = vector.broadcast %jit3A_138 : f32 to vector<512x64xf32>
    %select_n3A_140 = arith.select %eq3A_131, %broadcast_in_dim3A_139, %select_n3A_115 : vector<512x64xi1>, vector<512x64xf32>
    %convert_element_type3A_141 = arith.extui %eq3A_131 : vector<512x64xi1> to vector<512x64xi32>
    %convert_element_type3A_142 = arith.sitofp %convert_element_type3A_141 : vector<512x64xi32> to vector<512x64xf32>
    %add3A_143 = arith.addf %add3A_118, %convert_element_type3A_142 : vector<512x64xf32>
    %reduce_max3A_144 = arith.constant dense<0xFF800000> : vector<512xf32>
    %reduce_max3A_145 = vector.multi_reduction <maximumf>, %select_n3A_140, %reduce_max3A_144 [1] : vector<512x64xf32> to vector<512xf32>
    %broadcast_in_dim3A_146 = vector.shape_cast %reduce_max3A_145 : vector<512xf32> to vector<512x1xf32>
    %eq3A_147 = vector.broadcast %broadcast_in_dim3A_146 : vector<512x1xf32> to vector<512x64xf32>
    %eq3A_148 = arith.cmpf oeq, %select_n3A_140, %eq3A_147 : vector<512x64xf32>
    %jit3A_149 = arith.constant 6.400000e+01 : f32
    %broadcast_in_dim3A_150 = vector.broadcast %jit3A_149 : f32 to vector<512x64xf32>
    %select_n3A_151 = arith.select %eq3A_148, %convert_element_type3A_19, %broadcast_in_dim3A_150 : vector<512x64xi1>, vector<512x64xf32>
    %reduce_min3A_152 = arith.constant dense<0x7F800000> : vector<512xf32>
    %reduce_min3A_153 = vector.multi_reduction <minimumf>, %select_n3A_151, %reduce_min3A_152 [1] : vector<512x64xf32> to vector<512xf32>
    %broadcast_in_dim3A_154 = vector.shape_cast %reduce_min3A_153 : vector<512xf32> to vector<512x1xf32>
    %eq3A_155 = vector.broadcast %broadcast_in_dim3A_154 : vector<512x1xf32> to vector<512x64xf32>
    %eq3A_156 = arith.cmpf oeq, %convert_element_type3A_19, %eq3A_155 : vector<512x64xf32>
    %jit3A_157 = arith.constant 0.000000e+00 : f32
    %broadcast_in_dim3A_158 = vector.broadcast %jit3A_157 : f32 to vector<512x64xf32>
    %select_n3A_159 = arith.select %eq3A_156, %mul3A_14, %broadcast_in_dim3A_158 : vector<512x64xi1>, vector<512x64xf32>
    %reduce_sum3A_160 = arith.constant dense<0.000000e+00> : vector<512xf32>
    %reduce_sum3A_161 = vector.multi_reduction <add>, %select_n3A_159, %reduce_sum3A_160 [1] : vector<512x64xf32> to vector<512xf32>
    %broadcast_in_dim3A_162 = vector.shape_cast %reduce_sum3A_161 : vector<512xf32> to vector<512x1xf32>
    %jit3A_163 = arith.constant 0xFF800000 : f32
    %broadcast_in_dim3A_164 = vector.broadcast %jit3A_163 : f32 to vector<512x64xf32>
    %select_n3A_165 = arith.select %eq3A_156, %broadcast_in_dim3A_164, %select_n3A_140 : vector<512x64xi1>, vector<512x64xf32>
    %convert_element_type3A_166 = arith.extui %eq3A_156 : vector<512x64xi1> to vector<512x64xi32>
    %convert_element_type3A_167 = arith.sitofp %convert_element_type3A_166 : vector<512x64xi32> to vector<512x64xf32>
    %add3A_168 = arith.addf %add3A_143, %convert_element_type3A_167 : vector<512x64xf32>
    %reduce_max3A_169 = arith.constant dense<0xFF800000> : vector<512xf32>
    %reduce_max3A_170 = vector.multi_reduction <maximumf>, %select_n3A_165, %reduce_max3A_169 [1] : vector<512x64xf32> to vector<512xf32>
    %broadcast_in_dim3A_171 = vector.shape_cast %reduce_max3A_170 : vector<512xf32> to vector<512x1xf32>
    %eq3A_172 = vector.broadcast %broadcast_in_dim3A_171 : vector<512x1xf32> to vector<512x64xf32>
    %eq3A_173 = arith.cmpf oeq, %select_n3A_165, %eq3A_172 : vector<512x64xf32>
    %jit3A_174 = arith.constant 6.400000e+01 : f32
    %broadcast_in_dim3A_175 = vector.broadcast %jit3A_174 : f32 to vector<512x64xf32>
    %select_n3A_176 = arith.select %eq3A_173, %convert_element_type3A_19, %broadcast_in_dim3A_175 : vector<512x64xi1>, vector<512x64xf32>
    %reduce_min3A_177 = arith.constant dense<0x7F800000> : vector<512xf32>
    %reduce_min3A_178 = vector.multi_reduction <minimumf>, %select_n3A_176, %reduce_min3A_177 [1] : vector<512x64xf32> to vector<512xf32>
    %broadcast_in_dim3A_179 = vector.shape_cast %reduce_min3A_178 : vector<512xf32> to vector<512x1xf32>
    %eq3A_180 = vector.broadcast %broadcast_in_dim3A_179 : vector<512x1xf32> to vector<512x64xf32>
    %eq3A_181 = arith.cmpf oeq, %convert_element_type3A_19, %eq3A_180 : vector<512x64xf32>
    %jit3A_182 = arith.constant 0.000000e+00 : f32
    %broadcast_in_dim3A_183 = vector.broadcast %jit3A_182 : f32 to vector<512x64xf32>
    %select_n3A_184 = arith.select %eq3A_181, %mul3A_14, %broadcast_in_dim3A_183 : vector<512x64xi1>, vector<512x64xf32>
    %reduce_sum3A_185 = arith.constant dense<0.000000e+00> : vector<512xf32>
    %reduce_sum3A_186 = vector.multi_reduction <add>, %select_n3A_184, %reduce_sum3A_185 [1] : vector<512x64xf32> to vector<512xf32>
    %broadcast_in_dim3A_187 = vector.shape_cast %reduce_sum3A_186 : vector<512xf32> to vector<512x1xf32>
    %jit3A_188 = arith.constant 0xFF800000 : f32
    %broadcast_in_dim3A_189 = vector.broadcast %jit3A_188 : f32 to vector<512x64xf32>
    %select_n3A_190 = arith.select %eq3A_181, %broadcast_in_dim3A_189, %select_n3A_165 : vector<512x64xi1>, vector<512x64xf32>
    %convert_element_type3A_191 = arith.extui %eq3A_181 : vector<512x64xi1> to vector<512x64xi32>
    %convert_element_type3A_192 = arith.sitofp %convert_element_type3A_191 : vector<512x64xi32> to vector<512x64xf32>
    %add3A_193 = arith.addf %add3A_168, %convert_element_type3A_192 : vector<512x64xf32>
    %reduce_max3A_194 = arith.constant dense<0xFF800000> : vector<512xf32>
    %reduce_max3A_195 = vector.multi_reduction <maximumf>, %select_n3A_190, %reduce_max3A_194 [1] : vector<512x64xf32> to vector<512xf32>
    %broadcast_in_dim3A_196 = vector.shape_cast %reduce_max3A_195 : vector<512xf32> to vector<512x1xf32>
    %eq3A_197 = vector.broadcast %broadcast_in_dim3A_196 : vector<512x1xf32> to vector<512x64xf32>
    %eq3A_198 = arith.cmpf oeq, %select_n3A_190, %eq3A_197 : vector<512x64xf32>
    %jit3A_199 = arith.constant 6.400000e+01 : f32
    %broadcast_in_dim3A_200 = vector.broadcast %jit3A_199 : f32 to vector<512x64xf32>
    %select_n3A_201 = arith.select %eq3A_198, %convert_element_type3A_19, %broadcast_in_dim3A_200 : vector<512x64xi1>, vector<512x64xf32>
    %reduce_min3A_202 = arith.constant dense<0x7F800000> : vector<512xf32>
    %reduce_min3A_203 = vector.multi_reduction <minimumf>, %select_n3A_201, %reduce_min3A_202 [1] : vector<512x64xf32> to vector<512xf32>
    %broadcast_in_dim3A_204 = vector.shape_cast %reduce_min3A_203 : vector<512xf32> to vector<512x1xf32>
    %eq3A_205 = vector.broadcast %broadcast_in_dim3A_204 : vector<512x1xf32> to vector<512x64xf32>
    %eq3A_206 = arith.cmpf oeq, %convert_element_type3A_19, %eq3A_205 : vector<512x64xf32>
    %jit3A_207 = arith.constant 0.000000e+00 : f32
    %broadcast_in_dim3A_208 = vector.broadcast %jit3A_207 : f32 to vector<512x64xf32>
    %select_n3A_209 = arith.select %eq3A_206, %mul3A_14, %broadcast_in_dim3A_208 : vector<512x64xi1>, vector<512x64xf32>
    %reduce_sum3A_210 = arith.constant dense<0.000000e+00> : vector<512xf32>
    %reduce_sum3A_211 = vector.multi_reduction <add>, %select_n3A_209, %reduce_sum3A_210 [1] : vector<512x64xf32> to vector<512xf32>
    %broadcast_in_dim3A_212 = vector.shape_cast %reduce_sum3A_211 : vector<512xf32> to vector<512x1xf32>
    %convert_element_type3A_213 = arith.extui %eq3A_206 : vector<512x64xi1> to vector<512x64xi32>
    %convert_element_type3A_214 = arith.sitofp %convert_element_type3A_213 : vector<512x64xi32> to vector<512x64xf32>
    %add3A_215 = arith.addf %add3A_193, %convert_element_type3A_214 : vector<512x64xf32>
    %concatenate3A = tpu.concatenate %broadcast_in_dim3A_37, %broadcast_in_dim3A_62, %broadcast_in_dim3A_87, %broadcast_in_dim3A_112, %broadcast_in_dim3A_137, %broadcast_in_dim3A_162, %broadcast_in_dim3A_187, %broadcast_in_dim3A_212 in 1 : vector<512x1xf32>, vector<512x1xf32>, vector<512x1xf32>, vector<512x1xf32>, vector<512x1xf32>, vector<512x1xf32>, vector<512x1xf32>, vector<512x1xf32> -> vector<512x8xf32>
    %swap3A = arith.constant 0 : index
    %swap3A_216 = arith.constant 0 : index
    %swap3A_217 = vector.load %arg4[%swap3A, %swap3A_216] : memref<512x8xf32, #tpu.memory_space<vmem>>, vector<512x8xf32>
    tpu.vector_store %arg4[%swap3A, %swap3A_216], %concatenate3A {strides = array<i32>} : memref<512x8xf32, #tpu.memory_space<vmem>>, vector<512x8xf32>,
    %concatenate3A_218 = tpu.concatenate %broadcast_in_dim3A_29, %broadcast_in_dim3A_54, %broadcast_in_dim3A_79, %broadcast_in_dim3A_104, %broadcast_in_dim3A_129, %broadcast_in_dim3A_154, %broadcast_in_dim3A_179, %broadcast_in_dim3A_204 in 1 : vector<512x1xf32>, vector<512x1xf32>, vector<512x1xf32>, vector<512x1xf32>, vector<512x1xf32>, vector<512x1xf32>, vector<512x1xf32>, vector<512x1xf32> -> vector<512x8xf32>
    %convert_element_type3A_219 = arith.fptosi %concatenate3A_218 : vector<512x8xf32> to vector<512x8xi32>
    %swap3A_220 = arith.constant 0 : index
    %swap3A_221 = arith.constant 0 : index
    %swap3A_222 = vector.load %arg5[%swap3A_220, %swap3A_221] : memref<512x8xi32, #tpu.memory_space<vmem>>, vector<512x8xi32>
    tpu.vector_store %arg5[%swap3A_220, %swap3A_221], %convert_element_type3A_219 {strides = array<i32>} : memref<512x8xi32, #tpu.memory_space<vmem>>, vector<512x8xi32>,
    %get3A_223 = arith.constant 0 : index
    %get3A_224 = arith.constant 0 : index
    %get3A_225 = vector.load %arg10[%get3A_223, %get3A_224] : memref<512x512xbf16, #tpu.memory_space<vmem>>, vector<512x512xbf16>
    %convert_element_type3A_226 = arith.truncf %add3A_215 : vector<512x64xf32> to vector<512x64xbf16>
    %dot_general3A_227 = arith.constant dense<0.000000e+00> : vector<512x64xf32>
    %dot_general3A_228 = tpu.matmul %get3A_225, %convert_element_type3A_226, %dot_general3A_227 {dimension_numbers = #tpu.dot_dimension_numbers<[1], [0], [0], [1], [0, 0, 1, 1], [], []>, transpose_lhs_hint = false} : vector<512x512xbf16>, vector<512x64xbf16>, vector<512x64xf32> -> vector<512x64xf32>
    %get3A_229 = arith.constant 0 : index
    %get3A_230 = arith.constant 0 : index
    %get3A_231 = vector.load %arg9[%get3A_229, %get3A_230] : memref<8x64xf32, #tpu.memory_space<vmem>>, vector<1x64xf32>
    %add3A_232 = vector.broadcast %get3A_231 : vector<1x64xf32> to vector<512x64xf32>
    %add3A_233 = arith.addf %add3A_232, %dot_general3A_228 : vector<512x64xf32>
    %eq3A_234 = vector.broadcast %broadcast_in_dim3A_29 : vector<512x1xf32> to vector<512x64xf32>
    %eq3A_235 = arith.cmpf oeq, %convert_element_type3A_19, %eq3A_234 : vector<512x64xf32>
    %jit3A_236 = arith.constant 0.000000e+00 : f32
    %broadcast_in_dim3A_237 = vector.broadcast %jit3A_236 : f32 to vector<512x64xf32>
    %select_n3A_238 = arith.select %eq3A_235, %add3A_233, %broadcast_in_dim3A_237 : vector<512x64xi1>, vector<512x64xf32>
    %reduce_sum3A_239 = arith.constant dense<0.000000e+00> : vector<512xf32>
    %reduce_sum3A_240 = vector.multi_reduction <add>, %select_n3A_238, %reduce_sum3A_239 [1] : vector<512x64xf32> to vector<512xf32>
    %broadcast_in_dim3A_241 = vector.shape_cast %reduce_sum3A_240 : vector<512xf32> to vector<512x1xf32>
    %eq3A_242 = vector.broadcast %broadcast_in_dim3A_54 : vector<512x1xf32> to vector<512x64xf32>
    %eq3A_243 = arith.cmpf oeq, %convert_element_type3A_19, %eq3A_242 : vector<512x64xf32>
    %jit3A_244 = arith.constant 0.000000e+00 : f32
    %broadcast_in_dim3A_245 = vector.broadcast %jit3A_244 : f32 to vector<512x64xf32>
    %select_n3A_246 = arith.select %eq3A_243, %add3A_233, %broadcast_in_dim3A_245 : vector<512x64xi1>, vector<512x64xf32>
    %reduce_sum3A_247 = arith.constant dense<0.000000e+00> : vector<512xf32>
    %reduce_sum3A_248 = vector.multi_reduction <add>, %select_n3A_246, %reduce_sum3A_247 [1] : vector<512x64xf32> to vector<512xf32>
    %broadcast_in_dim3A_249 = vector.shape_cast %reduce_sum3A_248 : vector<512xf32> to vector<512x1xf32>
    %eq3A_250 = vector.broadcast %broadcast_in_dim3A_79 : vector<512x1xf32> to vector<512x64xf32>
    %eq3A_251 = arith.cmpf oeq, %convert_element_type3A_19, %eq3A_250 : vector<512x64xf32>
    %jit3A_252 = arith.constant 0.000000e+00 : f32
    %broadcast_in_dim3A_253 = vector.broadcast %jit3A_252 : f32 to vector<512x64xf32>
    %select_n3A_254 = arith.select %eq3A_251, %add3A_233, %broadcast_in_dim3A_253 : vector<512x64xi1>, vector<512x64xf32>
    %reduce_sum3A_255 = arith.constant dense<0.000000e+00> : vector<512xf32>
    %reduce_sum3A_256 = vector.multi_reduction <add>, %select_n3A_254, %reduce_sum3A_255 [1] : vector<512x64xf32> to vector<512xf32>
    %broadcast_in_dim3A_257 = vector.shape_cast %reduce_sum3A_256 : vector<512xf32> to vector<512x1xf32>
    %eq3A_258 = vector.broadcast %broadcast_in_dim3A_104 : vector<512x1xf32> to vector<512x64xf32>
    %eq3A_259 = arith.cmpf oeq, %convert_element_type3A_19, %eq3A_258 : vector<512x64xf32>
    %jit3A_260 = arith.constant 0.000000e+00 : f32
    %broadcast_in_dim3A_261 = vector.broadcast %jit3A_260 : f32 to vector<512x64xf32>
    %select_n3A_262 = arith.select %eq3A_259, %add3A_233, %broadcast_in_dim3A_261 : vector<512x64xi1>, vector<512x64xf32>
    %reduce_sum3A_263 = arith.constant dense<0.000000e+00> : vector<512xf32>
    %reduce_sum3A_264 = vector.multi_reduction <add>, %select_n3A_262, %reduce_sum3A_263 [1] : vector<512x64xf32> to vector<512xf32>
    %broadcast_in_dim3A_265 = vector.shape_cast %reduce_sum3A_264 : vector<512xf32> to vector<512x1xf32>
    %eq3A_266 = vector.broadcast %broadcast_in_dim3A_129 : vector<512x1xf32> to vector<512x64xf32>
    %eq3A_267 = arith.cmpf oeq, %convert_element_type3A_19, %eq3A_266 : vector<512x64xf32>
    %jit3A_268 = arith.constant 0.000000e+00 : f32
    %broadcast_in_dim3A_269 = vector.broadcast %jit3A_268 : f32 to vector<512x64xf32>
    %select_n3A_270 = arith.select %eq3A_267, %add3A_233, %broadcast_in_dim3A_269 : vector<512x64xi1>, vector<512x64xf32>
    %reduce_sum3A_271 = arith.constant dense<0.000000e+00> : vector<512xf32>
    %reduce_sum3A_272 = vector.multi_reduction <add>, %select_n3A_270, %reduce_sum3A_271 [1] : vector<512x64xf32> to vector<512xf32>
    %broadcast_in_dim3A_273 = vector.shape_cast %reduce_sum3A_272 : vector<512xf32> to vector<512x1xf32>
    %eq3A_274 = vector.broadcast %broadcast_in_dim3A_154 : vector<512x1xf32> to vector<512x64xf32>
    %eq3A_275 = arith.cmpf oeq, %convert_element_type3A_19, %eq3A_274 : vector<512x64xf32>
    %jit3A_276 = arith.constant 0.000000e+00 : f32
    %broadcast_in_dim3A_277 = vector.broadcast %jit3A_276 : f32 to vector<512x64xf32>
    %select_n3A_278 = arith.select %eq3A_275, %add3A_233, %broadcast_in_dim3A_277 : vector<512x64xi1>, vector<512x64xf32>
    %reduce_sum3A_279 = arith.constant dense<0.000000e+00> : vector<512xf32>
    %reduce_sum3A_280 = vector.multi_reduction <add>, %select_n3A_278, %reduce_sum3A_279 [1] : vector<512x64xf32> to vector<512xf32>
    %broadcast_in_dim3A_281 = vector.shape_cast %reduce_sum3A_280 : vector<512xf32> to vector<512x1xf32>
    %eq3A_282 = vector.broadcast %broadcast_in_dim3A_179 : vector<512x1xf32> to vector<512x64xf32>
    %eq3A_283 = arith.cmpf oeq, %convert_element_type3A_19, %eq3A_282 : vector<512x64xf32>
    %jit3A_284 = arith.constant 0.000000e+00 : f32
    %broadcast_in_dim3A_285 = vector.broadcast %jit3A_284 : f32 to vector<512x64xf32>
    %select_n3A_286 = arith.select %eq3A_283, %add3A_233, %broadcast_in_dim3A_285 : vector<512x64xi1>, vector<512x64xf32>
    %reduce_sum3A_287 = arith.constant dense<0.000000e+00> : vector<512xf32>
    %reduce_sum3A_288 = vector.multi_reduction <add>, %select_n3A_286, %reduce_sum3A_287 [1] : vector<512x64xf32> to vector<512xf32>
    %broadcast_in_dim3A_289 = vector.shape_cast %reduce_sum3A_288 : vector<512xf32> to vector<512x1xf32>
    %eq3A_290 = vector.broadcast %broadcast_in_dim3A_204 : vector<512x1xf32> to vector<512x64xf32>
    %eq3A_291 = arith.cmpf oeq, %convert_element_type3A_19, %eq3A_290 : vector<512x64xf32>
    %jit3A_292 = arith.constant 0.000000e+00 : f32
    %broadcast_in_dim3A_293 = vector.broadcast %jit3A_292 : f32 to vector<512x64xf32>
    %select_n3A_294 = arith.select %eq3A_291, %add3A_233, %broadcast_in_dim3A_293 : vector<512x64xi1>, vector<512x64xf32>
    %reduce_sum3A_295 = arith.constant dense<0.000000e+00> : vector<512xf32>
    %reduce_sum3A_296 = vector.multi_reduction <add>, %select_n3A_294, %reduce_sum3A_295 [1] : vector<512x64xf32> to vector<512xf32>
    %broadcast_in_dim3A_297 = vector.shape_cast %reduce_sum3A_296 : vector<512xf32> to vector<512x1xf32>
    %concatenate3A_298 = tpu.concatenate %broadcast_in_dim3A_241, %broadcast_in_dim3A_249, %broadcast_in_dim3A_257, %broadcast_in_dim3A_265, %broadcast_in_dim3A_273, %broadcast_in_dim3A_281, %broadcast_in_dim3A_289, %broadcast_in_dim3A_297 in 1 : vector<512x1xf32>, vector<512x1xf32>, vector<512x1xf32>, vector<512x1xf32>, vector<512x1xf32>, vector<512x1xf32>, vector<512x1xf32>, vector<512x1xf32> -> vector<512x8xf32>
    %convert_element_type3A_299 = arith.fptosi %concatenate3A_298 : vector<512x8xf32> to vector<512x8xi32>
    %swap3A_300 = arith.constant 0 : index
    %swap3A_301 = arith.constant 0 : index
    %swap3A_302 = vector.load %arg6[%swap3A_300, %swap3A_301] : memref<512x8xi32, #tpu.memory_space<vmem>>, vector<512x8xi32>
    tpu.vector_store %arg6[%swap3A_300, %swap3A_301], %convert_element_type3A_299 {strides = array<i32>} : memref<512x8xi32, #tpu.memory_space<vmem>>, vector<512x8xi32>,
    %get3A_303 = arith.constant 0 : index
    %get3A_304 = arith.constant 0 : index
    %get3A_305 = vector.load %arg9[%get3A_303, %get3A_304] : memref<8x64xf32, #tpu.memory_space<vmem>>, vector<1x64xf32>
    %reduce_sum3A_306 = arith.constant dense<0.000000e+00> : vector<64xf32>
    %reduce_sum3A_307 = vector.multi_reduction <add>, %add3A_215, %reduce_sum3A_306 [0] : vector<512x64xf32> to vector<64xf32>
    %broadcast_in_dim3A_308 = vector.shape_cast %reduce_sum3A_307 : vector<64xf32> to vector<1x64xf32>
    %add3A_309 = arith.addf %get3A_305, %broadcast_in_dim3A_308 : vector<1x64xf32>
    %broadcast_in_dim3A_310 = vector.shape_cast %add3A_309 : vector<1x64xf32> to vector<1x64xf32>
    %broadcast_in_dim3A_311 = vector.broadcast %broadcast_in_dim3A_310 : vector<1x64xf32> to vector<8x64xf32>
    %swap3A_312 = arith.constant 0 : index
    %swap3A_313 = arith.constant 0 : index
    %swap3A_314 = vector.load %arg9[%swap3A_312, %swap3A_313] : memref<8x64xf32, #tpu.memory_space<vmem>>, vector<8x64xf32>
    tpu.vector_store %arg9[%swap3A_312, %swap3A_313], %broadcast_in_dim3A_311 {strides = array<i32>} : memref<8x64xf32, #tpu.memory_space<vmem>>, vector<8x64xf32>,
    %broadcast_in_dim3A_315 = vector.shape_cast %add3A_309 : vector<1x64xf32> to vector<1x64xf32>
    %broadcast_in_dim3A_316 = vector.broadcast %broadcast_in_dim3A_315 : vector<1x64xf32> to vector<8x64xf32>
    %convert_element_type3A_317 = arith.fptosi %broadcast_in_dim3A_316 : vector<8x64xf32> to vector<8x64xi32>
    %swap3A_318 = arith.constant 0 : index
    %swap3A_319 = arith.constant 0 : index
    %swap3A_320 = vector.load %arg7[%swap3A_318, %swap3A_319] : memref<8x64xi32, #tpu.memory_space<vmem>>, vector<8x64xi32>
    tpu.vector_store %arg7[%swap3A_318, %swap3A_319], %convert_element_type3A_317 {strides = array<i32>} : memref<8x64xi32, #tpu.memory_space<vmem>>, vector<8x64xi32>,
    %eq3A_321 = arith.constant 63 : i32
    %eq3A_322 = arith.cmpi eq, %arg0, %eq3A_321 : i32
    %convert_element_type3A_323 = arith.extui %eq3A_322 : i1 to i32
    %cond3A_324 = arith.constant 0 : i32
    %cond3A_325 = arith.cmpi ne, %convert_element_type3A_323, %cond3A_324 : i32
    scf.if %cond3A_325 {
      %iota3A_326 = tpu.iota {dimensions = array<i32: 0>} : vector<64x64xi32>
      %iota3A_327 = tpu.iota {dimensions = array<i32: 1>} : vector<64x64xi32>
      %lt3A = arith.cmpi slt, %iota3A_326, %iota3A_327 : vector<64x64xi32>
      %convert_element_type3A_328 = arith.extui %lt3A : vector<64x64xi1> to vector<64x64xi32>
      %convert_element_type3A_329 = arith.sitofp %convert_element_type3A_328 : vector<64x64xi32> to vector<64x64xf32>
      %dot_general3A_330 = arith.constant dense<0.000000e+00> : vector<1x64xf32>
      %dot_general3A_331 = tpu.matmul %add3A_309, %convert_element_type3A_329, %dot_general3A_330 {dimension_numbers = #tpu.dot_dimension_numbers<[1], [0], [0], [1], [0, 0, 1, 1], [], []>, precision = #tpu.contract_precision<fp32>, transpose_lhs_hint = false} : vector<1x64xf32>, vector<64x64xf32>, vector<1x64xf32> -> vector<1x64xf32>
      %broadcast_in_dim3A_332 = vector.shape_cast %dot_general3A_331 : vector<1x64xf32> to vector<1x64xf32>
      %broadcast_in_dim3A_333 = vector.broadcast %broadcast_in_dim3A_332 : vector<1x64xf32> to vector<8x64xf32>
      %convert_element_type3A_334 = arith.fptosi %broadcast_in_dim3A_333 : vector<8x64xf32> to vector<8x64xi32>
      %swap3A_335 = arith.constant 0 : index
      %swap3A_336 = arith.constant 0 : index
      %swap3A_337 = vector.load %arg8[%swap3A_335, %swap3A_336] : memref<8x64xi32, #tpu.memory_space<vmem>>, vector<8x64xi32>
      tpu.vector_store %arg8[%swap3A_335, %swap3A_336], %convert_element_type3A_334 {strides = array<i32>} : memref<8x64xi32, #tpu.memory_space<vmem>>, vector<8x64xi32>,
    } else {
    }
    return
  }
  func.func @transform_0(%arg0: i32) -> (i32, i32) {
    %c0_i32 = arith.constant 0 : i32
    %c0_i32_0 = arith.constant 0 : i32
    return %arg0, %c0_i32 : i32, i32
  }
  func.func @transform_1(%arg0: i32) -> (i32, i32) {
    %c0_i32 = arith.constant 0 : i32
    %c0_i32_0 = arith.constant 0 : i32
    %c0_i32_1 = arith.constant 0 : i32
    return %c0_i32, %c0_i32_0 : i32, i32
  }
  func.func @transform_2(%arg0: i32) -> (i32, i32) {
    %c0_i32 = arith.constant 0 : i32
    %c0_i32_0 = arith.constant 0 : i32
    %c0_i32_1 = arith.constant 0 : i32
    return %c0_i32, %c0_i32_0 : i32, i32
  }
  func.func @transform_3(%arg0: i32) -> (i32, i32) {
    %c0_i32 = arith.constant 0 : i32
    %c0_i32_0 = arith.constant 0 : i32
    return %arg0, %c0_i32 : i32, i32
  }
  func.func @transform_4(%arg0: i32) -> (i32, i32) {
    %c0_i32 = arith.constant 0 : i32
    %c0_i32_0 = arith.constant 0 : i32
    return %arg0, %c0_i32 : i32, i32
  }
  func.func @transform_5(%arg0: i32) -> (i32, i32) {
    %c0_i32 = arith.constant 0 : i32
    %c0_i32_0 = arith.constant 0 : i32
    return %arg0, %c0_i32 : i32, i32
  }
  func.func @transform_6(%arg0: i32) -> (i32, i32) {
    %c0_i32 = arith.constant 0 : i32
    %c0_i32_0 = arith.constant 0 : i32
    %c0_i32_1 = arith.constant 0 : i32
    return %c0_i32, %c0_i32_0 : i32, i32
  }
  func.func @transform_7(%arg0: i32) -> (i32, i32) {
    %c0_i32 = arith.constant 0 : i32
    %c0_i32_0 = arith.constant 0 : i32
    %c0_i32_1 = arith.constant 0 : i32
    return %c0_i32, %c0_i32_0 : i32, i32
  }
}

</mosaic_0001>

<sc_bundles>
// kernel: kernel.4.cloned.1.call-start
scs
__scs_entry_jumppad:
0x0: {  	(pc) =	sbr.rel $0x88, $3  }
0x1: {  	(tag) =	ssettag $0x0;
	lr =	simm.s32 $0x1  }
0x2: {  	[smem:$0x3F9E] =	sst lr;
	_ =	strace $0xD0000000  }
0x3: {  	_ = 	snop  }
0x4: {  	_ = 	snop  }
0x5: {  	_ = 	snop  }
0x6: {  	_ = 	snop  }
0x7: {  	_ = 	snop  }
__scs_overlays_trampoline_lowered:
0x8: {  	[smem:$0x3FAD] =	sst s0  }
0x9: {  	[smem:$0x3FAE] =	sst s1  }
0xa: {  	[smem:$0x3FAF] =	sst s2  }
0xb: {  	[smem:$0x3FB0] =	sst s3  }
0xc: {  	[smem:$0x3FB1] =	sst s4  }
0xd: {  	[smem:$0x3FB2] =	sst s5  }
0xe: {  	[smem:$0x3FB3] =	sst s6  }
0xf: {  	[smem:$0x3FB4] =	sst s7  }
0x10: {  	[smem:$0x3FB5] =	sst s8  }
0x11: {  	[smem:$0x3FB6] =	sst s9;
	s0 =	simm.s32 @!p0 $0x0  }
0x12: {  	s1 =	sld [smem:$0x3F9C];
	s0 =	simm.s32 @p0 $0x1  }
0x13: {  	[smem:$0x3FB7] =	sst s0;
	s0 =	simm.s32 @!p1 $0x0  }
0x14: {  	s2 =	sld [smem:$0x3F9B];
	s0 =	simm.s32 @p1 $0x1  }
0x15: {  	[smem:$0x3FB8] =	sst s0;
	s0 =	simm.s32 @!p2 $0x0  }
0x16: {  	s3 =	sld [smem:$0x3FDB];
	s0 =	simm.s32 @p2 $0x1  }
0x17: {  	s4 =	simm.s32 $0x1BF5;
	[smem:$0x3FBA] =	sst s0  }
0x18: {  	s0 =	sld [smem:$0x3F9D];
	_ =	swait.ge [sflag:s4], $0x0  }
0x19: {  	s7 =	sld [smem:$0x3F9E]  }
0x1a: {  	s8 =	sadd.s32 $0xFFFFE003, lr  }
0x1b: {  	s9 =	sadd.s32 $0xFFFFFEF7, lr;
	s5 =	simm.s32 $0xFFFFFFFF;
	p2 =	slt.u32 s8, $0xFFFFF086  }
0x1c: {  	p1 =	slt.u32 s9, $0xF7A;
	s5 =	simm.s32 @!p2 $0x0  }
0x1d: {  	s5 =	simm.s32 @p1 $0x1;
	p0 =	seq.s32 s7, s2  }
0x1e: {  	s7 =	smul.u32 @!p0 $0xF7A, s2;
	p2 =	seq.s32 @!p0 s5, $0x0  }
0x1f: {  	s9 =	smul.u32 $0xF7A, s1;
	s8 =	simm.s32 @!p0 $0x1BF5;
	p2 =	por !p2, p0  }
0x20: {  	[sflag:s8] =	ssyncset.s32 @!p0 $0xFFFFF086;
	s6 =	sadd.s32 @!p0 s3, s7;
	s7 =	simm.s32 @!p0 $0x108  }
0x21: {  	s3 =	sadd.s32 s3, s9;
	s6 =	sadd.s32 @!p0 $0x88, s6;
	s7 =	simm.s32 @p2 $0x1082  }
0x22: {  	[simem:s7], [sflag:s8] =	dma.local @!p0 [hbm:s6], $0xF7A  }
0x23: {  	s9 =	sor.u32 $0xD0000000, s2;
	s6 =	simm.s32 $0x108;
	_ =	swait.ge @!p0 [sflag:s8], $0x0  }
0x24: {  	s3 =	sadd.s32 $0x88, s3;
	s6 =	simm.s32 @!p1 $0x1082;
	[sflag:s4] =	ssyncset.s32 $0xFFFFF086  }
0x25: {  	[simem:s6], [sflag:s4] =	dma.local [hbm:s3], $0xF7A  }
0x26: {  	[smem:$0x3F9E] =	sst s1;
	(tag) =	ssettag s2;
	_ =	strace s9  }
0x27: {  	s1 =	sld [smem:$0x3FAE]  }
0x28: {  	s2 =	sld [smem:$0x3FAF]  }
0x29: {  	s4 =	sld [smem:$0x3FB1]  }
0x2a: {  	p0 =	seq.s32 s5, $0x0;
	s5 =	sld [smem:$0x3FB2]  }
0x2b: {  	s6 =	sld [smem:$0x3FB3]  }
0x2c: {  	s7 =	sld [smem:$0x3FB4]  }
0x2d: {  	s3 =	simm.s32 $0x108;
	s8 =	sld [smem:$0x3FB5]  }
0x2e: {  	s3 =	simm.s32 @!p0 $0x1082;
	s9 =	sld [smem:$0x3FB6]  }
0x2f: {  	lr =	sadd.s32 s0, s3;
	s0 =	sld [smem:$0x3FAD]  }
0x30: {  	s3 =	sld [smem:$0x3FB0]  }
0x31: {  	[smem:$0x3FB9] =	sst s10  }
0x32: {  	s10 =	sld [smem:$0x3FB7];
	_ =	sdelay $0x3  }
0x33: {  	p0 =	seq.s32 s10, $0x1;
	s10 =	sld [smem:$0x3FB9];
	_ =	sdelay $0x3  }
0x34: {  	[smem:$0x3FB9] =	sst s10  }
0x35: {  	s10 =	sld [smem:$0x3FB8];
	_ =	sdelay $0x3  }
0x36: {  	p1 =	seq.s32 s10, $0x1;
	s10 =	sld [smem:$0x3FB9];
	_ =	sdelay $0x3  }
0x37: {  	[smem:$0x3FB9] =	sst s10  }
0x38: {  	s10 =	sld [smem:$0x3FBA]  }
0x39: {  	_ = 	snop;
	(pc) =	sbr.ind lr, $3  }
0x3a: {  	_ = 	snop  }
0x3b: {  	_ = 	snop  }
0x3c: {  	p2 =	seq.s32 s10, $0x1;
	s10 =	sld [smem:$0x3FB9]  }
0x3d: {  	_ =	shalt  }
0x3e: {  	_ =	shalt  }
0x3f: {  	_ =	shalt  }
0x40: {  	_ =	shalt  }
0x41: {  	_ =	shalt  }
0x42: {  	_ =	shalt  }
0x43: {  	_ =	shalt  }
0x44: {  	_ =	shalt  }
0x45: {  	_ =	shalt  }
0x46: {  	_ =	shalt  }
0x47: {  	_ =	shalt  }
0x48: {  	_ =	shalt  }
0x49: {  	_ =	shalt  }
0x4a: {  	_ =	shalt  }
0x4b: {  	_ =	shalt  }
0x4c: {  	_ =	shalt  }
0x4d: {  	_ =	shalt  }
0x4e: {  	_ =	shalt  }
0x4f: {  	_ =	shalt  }
0x50: {  	_ =	shalt  }
0x51: {  	_ =	shalt  }
0x52: {  	_ =	shalt  }
0x53: {  	_ =	shalt  }
0x54: {  	_ =	shalt  }
0x55: {  	_ =	shalt  }
0x56: {  	_ =	shalt  }
0x57: {  	_ =	shalt  }
0x58: {  	_ =	shalt  }
0x59: {  	_ =	shalt  }
0x5a: {  	_ =	shalt  }
0x5b: {  	_ =	shalt  }
0x5c: {  	_ =	shalt  }
0x5d: {  	_ =	shalt  }
0x5e: {  	_ =	shalt  }
0x5f: {  	_ =	shalt  }
0x60: {  	_ =	shalt  }
0x61: {  	_ =	shalt  }
0x62: {  	_ =	shalt  }
0x63: {  	_ =	shalt  }
0x64: {  	_ =	shalt  }
0x65: {  	_ =	shalt  }
0x66: {  	_ =	shalt  }
0x67: {  	_ =	shalt  }
0x68: {  	_ =	shalt  }
0x69: {  	_ =	shalt  }
0x6a: {  	_ =	shalt  }
0x6b: {  	_ =	shalt  }
0x6c: {  	_ =	shalt  }
0x6d: {  	_ =	shalt  }
0x6e: {  	_ =	shalt  }
0x6f: {  	_ =	shalt  }
0x70: {  	_ =	shalt  }
0x71: {  	_ =	shalt  }
0x72: {  	_ =	shalt  }
0x73: {  	_ =	shalt  }
0x74: {  	_ =	shalt  }
0x75: {  	_ =	shalt  }
0x76: {  	_ =	shalt  }
0x77: {  	_ =	shalt  }
0x78: {  	_ =	shalt  }
0x79: {  	_ =	shalt  }
0x7a: {  	_ =	shalt  }
0x7b: {  	_ =	shalt  }
0x7c: {  	_ =	shalt  }
0x7d: {  	_ =	shalt  }
0x7e: {  	_ =	shalt  }
0x7f: {  	_ =	shalt  }
0x80: {  	_ =	shalt  }
0x81: {  	_ =	shalt  }
0x82: {  	_ =	shalt  }
0x83: {  	_ =	shalt  }
0x84: {  	_ =	shalt  }
0x85: {  	_ =	shalt  }
0x86: {  	_ =	shalt  }
0x87: {  	_ =	shalt  }
.Lfunc_end0:
.L_simem_size_0:
called_computation_lowered:
.L_overlay_start_0:
0x88: {  	s2 =	sld [smem:$0x3FD9]  }
0x89: {  	s3 =	sld [smem:$0x3FFE];
	_ =	sdelay $0x1  }
0x8a: {  	s1 =	srdreg.scid  }
0x8b: {  	s0 =	sand.u32 $0x1, s1  }
0x8c: {  	s14 =	sshll.u32 s0, $0xA;
	s2 =	sadd.s32 s3, s2  }
0x8d: {  	s2 =	sadd.s32 s2, s14  }
0x8e: {  	[smem:$0x3FC5] =	sst s2  }
0x8f: {  	_ = 	snop  }
0x90: {  	s2 =	sld [smem:$0x3FD0];
	_ =	sdelay $0x2  }
0x91: {  	s15 =	simm.s32 $0xA;
	s4 =	simm.s32 $0x10  }
0x92: {  	[smem:s4], [sflag:s15] =	dma.local [hbm:s2], $0x1  }
0x93: {  	_ =	swait.eq [sflag:s15], $0x1  }
0x94: {  	[sflag:s15] =	ssyncset.done $0x0  }
0x95: {  	s16 =	sld [smem:$0x10];
	[sflag:s15] =	ssyncadd.s32 $0xFFFFFFFF  }
0x96: {  	s17 =	sld [smem:$0x11];
	(tm) =	ssettm $0x1  }
0x97: {  	s18 =	sld [smem:$0x3FFB];
	_ =	sdelay $0x3  }
0x98: {  	_ =	strace s18  }
0x99: {  	s4 =	sld [smem:$0x3FFC];
	_ =	sdelay $0x3  }
0x9a: {  	_ =	strace s4  }
0x9b: {  	s4 =	sld [smem:$0x3FFD];
	_ =	sdelay $0x3  }
0x9c: {  	_ =	strace s4  }
0x9d: {  	_ =	strace $0x8FFFFFFF  }
0x9e: {  	s19 =	sld [smem:$0x3FDB];
	_ =	sdelay $0x1  }
0x9f: {  	s5 =	simm.s32 $_scs_section_size  }
0xa0: {  	s6 =	simm.s32 $_size__tile_overlayer_lowered;
	s7 =	simm.s32 $_tile_overlayer_lowered  }
0xa1: {  	s22 =	simm.s32 $0x1BFF;
	s21 =	sshll.u32 s7, $0x1;
	s4 =	sadd.s32 s5, s19  }
0xa2: {  	s8 =	simm.s32 $0x0;
	s20 =	sshll.u32 s6, $0x1;
	s6 =	sadd.s32 s21, s4  }
0xa3: {  	[timem:s8], [sflag:s22] =	dma.local [hbm:s6], s20  }
0xa4: {  	_ =	swait.ge [sflag:s22], s20  }
0xa5: {  	s5 =	ssub.s32 $0x0, s20;
	[sflag:s22] =	ssyncset.done $0x0  }
0xa6: {  	[sflag:s22] =	ssyncadd.s32 s5;
	_ =	sdelay $0x1  }
0xa7: {  	s23 =	simm.s32 $0x1B8B  }
0xa8: {  	_ =	swait.ge [sflag:s23], $0x1  }
0xa9: {  	[sflag:s23] =	ssyncset.done $0x0  }
0xaa: {  	s25 =	simm.s32 $0x1B8E;
	s24 =	sld [smem:$0x3FFE];
	[sflag:s23] =	ssyncadd.s32 $0xFFFFFFFF  }
0xab: {  	s26 =	simm.s32 $execute0_lowered;
	[smem:$0x3FD2] =	sst s25  }
0xac: {  	s6 =	sshll.u32 s26, $0x1;
	_ =	strace $0x80000046;
	[dreg:$0x1] =	wrdreg $0xFFFFFFFF  }
0xad: {  	s28 =	simm.s32 $_size_execute0_lowered;
	s4 =	sadd.s32 s4, s6;
	[dreg:$0x0] =	wrdreg $0x0  }
0xae: {  	s6 =	sshll.u32 s28, $0x1;
	[dreg:$0x2] =	wrdreg s4  }
0xaf: {  	[dreg:$0x3] =	wrdreg s6  }
0xb0: {  	[dreg:$0x4] =	wrdreg $0xC0  }
0xb1: {  	_ =	task [dreg:s8], $0x5FFFF  }
0xb2: {  	[dreg:$0x1] =	wrdreg $0xFFFFFFFF  }
0xb3: {  	[dreg:$0x0] =	wrdreg $0x60  }
0xb4: {  	[dreg:$0x2] =	wrdreg s24  }
0xb5: {  	[dreg:$0x3] =	wrdreg s16  }
0xb6: {  	[dreg:$0x4] =	wrdreg s17  }
0xb7: {  	[dreg:$0x5] =	wrdreg $0x140800  }
0xb8: {  	[dreg:$0x6] =	wrdreg $0x180800  }
0xb9: {  	[dreg:$0x7] =	wrdreg $0x9  }
0xba: {  	_ =	task.clear_ibuf [dreg:s8], $0x8FFFF;
	_ =	strace $0x90000046  }
0xbb: {  	s29 =	simm.s32 $0x9;
	_ =	strace $0x80000048  }
0xbc: {  	_ =	swait.ge [sflag:s29], $0x1  }
0xbd: {  	[sflag:s29] =	ssyncadd.s32 $0xFFFFFFFF  }
0xbe: {  	_ =	strace $0x90000048  }
0xbf: {  	_ =	sfence  }
0xc0: {  	s30 =	sld [smem:$0x0];
	_ =	sdelay $0x2  }
0xc1: {  	s31 =	sshll.u32 s1, $0xD;
	s1 =	sshrl.u32 s1, $0x2  }
0xc2: {  	s3 =	sand.u32 $0x4000, s31;
	s1 =	sadd.s32 s1, s30  }
0xc3: {  	s0 =	sor.u32 s3, s0;
	s1 =	sshll.u32 s1, $0x11  }
0xc4: {  	s0 =	sor.u32 s1, s0  }
0xc5: {  	s0 =	sadd.s32 $0x8F2B, s0  }
0xc6: {  	[sflag:s0] =	ssyncadd.remote.s32 $0x1  }
0xc7: {  	_ =	sfence.sel $0xFFFF  }
0xc8: {  	[dreg:$0x0] =	wrdreg $0xFFFFFFFF;
	(pc) =	sbr.abs _section_cstart, $3  }
0xc9: {  	[dreg:$0x1] =	wrdreg $0xFFFFFFFF  }
0xca: {  	_ =	task.clear_ibuf [dreg:s8], $0x2FFFF;
	_ =	strace $0x9FFFFFFF  }
0xcb: {  	(tm) =	ssettm $0x7FFFFFFF  }
tec
execute0_lowered:
.L_overlay_start_1:
0x0: {  	(tag) =	ssettag $0x1  }
0x1: {  	s5 =	rddreg [dreg:$0x0]  }
0x2: {  	s12 =	rddreg [dreg:$0x1]  }
0x3: {  	s13 =	rddreg [dreg:$0x2]  }
0x4: {  	s1 =	rddreg [dreg:$0x3]  }
0x5: {  	s2 =	rddreg [dreg:$0x4]  }
0x6: {  	s0 =	rddreg [dreg:$0x5];
	s4 =	simm.s32 $0x0;
	s6 =	srdreg.scid  }
0x7: {  	s3 =	stileid.u32;
	s16 =	simm.s32 $0x8000;
	s17 =	simm.s32 $0x10000  }
0x8: {  	s18 =	simm.s32 $0x3;
	s19 =	simm.s32 $0x1;
	s20 =	simm.s32 $0x2  }
0x9: {  	s21 =	simm.s32 $0x80;
	s22 =	simm.s32 $0x10080;
	s23 =	simm.s32 $0x12080  }
0xa: {  	s24 =	simm.s32 $0x0;
	[smem:$0x7FF] =	sst s4;
	s6 =	sand.u32 $0x1, s6  }
0xb: {  	s7 =	sshll.u32 s3, $0xB;
	s10 =	sshll.u32 s3, $0xD;
	_ =	strace $0x80000047  }
0xc: {  	s8 =	ssub.s32 $0x2, s6;
	s9 =	sadd.s32 s7, s5;
	s5 =	sadd.s32 $0x9C00, s5  }
0xd: {  	s31 =	sshll.u32 s6, $0x11;
	s6 =	sshll.u32 s3, $0xE;
	s30 =	sshrl.u32 s8, $0x1  }
0xe: {  	v0 =	vlaneseq.u32;
	s7 =	sadd.s32 $0x101C00, s9;
	s11 =	sor.u32 s10, s31;
	s14 =	ssub.s32 s8, s30  }
0xf: {  	v1 =	vor.u32 $0x10, v0;
	s8 =	sadd.s32 $0x109C00, s9;
	s9 =	sadd.s32 $0x1C00, s9;
	s15 =	sshrl.u32 s11, $0x3  }
0x10: {  	v2 =	vor.u32 $0x20, v0;
	v3 =	vor.u32 $0x30, v0;
	v4 =	vor.u32 $0x40, v0;
	s10 =	sadd.s32 s11, s1;
	s11 =	sadd.s32 s11, s2;
	s12 =	sadd.s32 s12, s15  }
0x11: {  	v5 =	vor.u32 $0x50, v0;
	v6 =	vor.u32 $0x60, v0;
	v7 =	vor.u32 $0x70, v0;
	s13 =	sadd.s32 s13, s15;
	s14 =	smax.u32 s14, $0x1;
	s15 =	simm.s32 $0x4000  }
.LBB2_1:
0x12: {  	[tilespmem:s4], [sflag:$0x1] =	stream.linear.gather [hbm4b:s7+s4], $0x4000, $0x38;
	[tilespmem:$0x1C080] =	vst v63  }
0x13: {  	_ = 	snop  }
0x14: {  	[tilespmem:s15], [sflag:$0x2] =	stream.linear.gather [hbm4b:s8+s4], $0x4000, $0x38;
	[tilespmem:$0x1C080] =	vst v63  }
0x15: {  	_ = 	snop  }
0x16: {  	[tilespmem:s16], [sflag:$0x1] =	stream.linear.gather [hbm4b:s9+s4], $0x4000, $0x38;
	[tilespmem:$0x1C080] =	vst v63  }
0x17: {  	_ = 	snop  }
0x18: {  	[tilespmem:s17], [sflag:$0x3] =	stream.linear.gather [hbm4b:s5+s4], $0x80, $0x38;
	[tilespmem:$0x1C080] =	vst v63  }
0x19: {  	_ =	swait.ge [sflag:s18], $0x80  }
0x1a: {  	[sflag:s18] =	ssyncset.done $0x0  }
0x1b: {  	[sflag:s18] =	ssyncadd.s32 $0xFFFFFF80  }
0x1c: {  	_ =	swait.ge [sflag:s19], $0x4000  }
0x1d: {  	[sflag:s19] =	ssyncset.done $0x0  }
0x1e: {  	[sflag:s19] =	ssyncadd.s32 $0xFFFFC000  }
0x1f: {  	_ =	swait.ge [sflag:s20], $0x4000  }
0x20: {  	[sflag:s20] =	ssyncset.done $0x0  }
0x21: {  	[sflag:s20] =	ssyncadd.s32 $0xFFFFC000  }
0x22: {  	_ =	swait.ge [sflag:s19], $0x4000  }
0x23: {  	[sflag:s19] =	ssyncset.done $0x0  }
0x24: {  	s25 =	simm.s32 $0x0;
	[sflag:s19] =	ssyncadd.s32 $0xFFFFC000  }
0x25: {  	v8 =	vld [tilespmem:s25+$0x4000];
	_ =	sdelay $0x5  }
0x26: {  	v9 =	vld [tilespmem:s25+$0x4010]  }
0x27: {  	v10 =	vld [tilespmem:s25+$0x8000]  }
0x28: {  	v8 =	vld.idx.msk [tilespmem:v8+s17+$0x0], $0xffff;
	_ =	sdelay $0x2  }
0x29: {  	v11 =	vor.u32 s6, v0  }
0x2a: {  	v11 =	vshrl.u32 v11, $0x3  }
0x2b: {  	v47 =	vld [tilespmem:s25+$0x8010];
	[tilespmem:s25+$0xC000] =	vst v11;
	v8 =	vadd.s32 v8, v10  }
0x2c: {  	[tilespmem:s25+$0x8000] =	vst v8;
	v8 =	vld [tilespmem:s25+$0x4020]  }
0x2d: {  	v9 =	vld.idx.msk [tilespmem:v9+s17+$0x0], $0xffff;
	_ =	sdelay $0x2  }
0x2e: {  	v48 =	vor.u32 s6, v1  }
0x2f: {  	v11 =	vshrl.u32 v48, $0x3  }
0x30: {  	v49 =	vld [tilespmem:s25+$0x4030];
	[tilespmem:s25+$0xC010] =	vst v11;
	v9 =	vadd.s32 v9, v47  }
0x31: {  	v50 =	vld [tilespmem:s25+$0x8020];
	[tilespmem:s25+$0x8010] =	vst v9  }
0x32: {  	v8 =	vld.idx.msk [tilespmem:v8+s17+$0x0], $0xffff;
	_ =	sdelay $0x2  }
0x33: {  	v51 =	vor.u32 s6, v2  }
0x34: {  	v11 =	vshrl.u32 v51, $0x3  }
0x35: {  	v52 =	vld [tilespmem:s25+$0x8030];
	[tilespmem:s25+$0xC020] =	vst v11;
	v8 =	vadd.s32 v8, v50  }
0x36: {  	[tilespmem:s25+$0x8020] =	vst v8;
	v8 =	vld [tilespmem:s25+$0x4040]  }
0x37: {  	v9 =	vld.idx.msk [tilespmem:v49+s17+$0x0], $0xffff;
	_ =	sdelay $0x2  }
0x38: {  	v53 =	vor.u32 s6, v3  }
0x39: {  	v11 =	vshrl.u32 v53, $0x3  }
0x3a: {  	v54 =	vld [tilespmem:s25+$0x4050];
	[tilespmem:s25+$0xC030] =	vst v11;
	v9 =	vadd.s32 v9, v52  }
0x3b: {  	v55 =	vld [tilespmem:s25+$0x8040];
	[tilespmem:s25+$0x8030] =	vst v9  }
0x3c: {  	v8 =	vld.idx.msk [tilespmem:v8+s17+$0x0], $0xffff;
	_ =	sdelay $0x2  }
0x3d: {  	v56 =	vor.u32 s6, v4  }
0x3e: {  	v11 =	vshrl.u32 v56, $0x3  }
0x3f: {  	v57 =	vld [tilespmem:s25+$0x8050];
	[tilespmem:s25+$0xC040] =	vst v11;
	v8 =	vadd.s32 v8, v55  }
0x40: {  	[tilespmem:s25+$0x8040] =	vst v8;
	v8 =	vld [tilespmem:s25+$0x4060]  }
0x41: {  	v9 =	vld.idx.msk [tilespmem:v54+s17+$0x0], $0xffff;
	_ =	sdelay $0x2  }
0x42: {  	v58 =	vor.u32 s6, v5  }
0x43: {  	v11 =	vshrl.u32 v58, $0x3  }
0x44: {  	v59 =	vld [tilespmem:s25+$0x4070];
	[tilespmem:s25+$0xC050] =	vst v11;
	v9 =	vadd.s32 v9, v57  }
0x45: {  	v60 =	vld [tilespmem:s25+$0x8060];
	[tilespmem:s25+$0x8050] =	vst v9  }
0x46: {  	v8 =	vld.idx.msk [tilespmem:v8+s17+$0x0], $0xffff;
	_ =	sdelay $0x2  }
0x47: {  	v61 =	vor.u32 s6, v6  }
0x48: {  	v11 =	vshrl.u32 v61, $0x3  }
0x49: {  	[tilespmem:s25+$0xC060] =	vst v11;
	v8 =	vadd.s32 v8, v60  }
0x4a: {  	v62 =	vld [tilespmem:s25+$0x8070];
	[tilespmem:s25+$0x8060] =	vst v8  }
0x4b: {  	v8 =	vld.idx.msk [tilespmem:v59+s17+$0x0], $0xffff;
	_ =	sdelay $0x2  }
0x4c: {  	v63 =	vor.u32 s6, v7  }
0x4d: {  	v10 =	vshrl.u32 v63, $0x3  }
0x4e: {  	[tilespmem:s25+$0xC070] =	vst v10;
	v8 =	vadd.s32 v8, v62  }
0x4f: {  	s30 =	simm.s32 $0x8000;
	s28 =	simm.s32 $0x400;
	[tilespmem:s25+$0x8070] =	vst v8  }
0x50: {  	[spmem:s1] =	stream.indirect.scatter [tilespmem:s25], [sflag:$0x1], $0x1, s30, s21, $0xb8;
	[tilespmem:$0x1C080] =	vst v63  }
0x51: {  	s31 =	simm.s32 $0xC000;
	s26 =	sadd.s32 $0x80, s6;
	s25 =	simm.s32 $0x80  }
.LBB2_2:
0x52: {  	[spmem:s2] =	stream.indirect.scatter [tilespmem:s31], [sflag:$0x2], $0x1, s30, s21, $0xb8;
	[tilespmem:$0x1C080] =	vst v63  }
0x53: {  	s29 =	sshra.s32 s28, $0x2;
	p0 =	sne.s32 s28, $0xFE00;
	s28 =	sadd.s32 $0x200, s28;
	v8 =	vld [tilespmem:s25+$0x4000]  }
0x54: {  	_ =	sdelay $0x5  }
0x55: {  	v9 =	vld [tilespmem:s25+$0x4010]  }
0x56: {  	v8 =	vld.idx.msk [tilespmem:v8+s17+$0x0], $0xffff  }
0x57: {  	v10 =	vld [tilespmem:s25+$0x8000];
	_ =	sdelay $0x2  }
0x58: {  	v11 =	vor.u32 s26, v0  }
0x59: {  	v11 =	vshrl.u32 v11, $0x3  }
0x5a: {  	v8 =	vadd.s32 v8, v10;
	[tilespmem:s25+$0xC000] =	vst v11  }
0x5b: {  	[tilespmem:s25+$0x8000] =	vst v8;
	v8 =	vld [tilespmem:s25+$0x4020]  }
0x5c: {  	v9 =	vld.idx.msk [tilespmem:v9+s17+$0x0], $0xffff  }
0x5d: {  	v10 =	vld [tilespmem:s25+$0x8010];
	_ =	sdelay $0x2  }
0x5e: {  	v11 =	vor.u32 s26, v1  }
0x5f: {  	v11 =	vshrl.u32 v11, $0x3  }
0x60: {  	v9 =	vadd.s32 v9, v10;
	[tilespmem:s25+$0xC010] =	vst v11  }
0x61: {  	[tilespmem:s25+$0x8010] =	vst v9;
	v9 =	vld [tilespmem:s25+$0x4030]  }
0x62: {  	v8 =	vld.idx.msk [tilespmem:v8+s17+$0x0], $0xffff  }
0x63: {  	v10 =	vld [tilespmem:s25+$0x8020];
	_ =	sdelay $0x2  }
0x64: {  	v11 =	vor.u32 s26, v2  }
0x65: {  	v11 =	vshrl.u32 v11, $0x3  }
0x66: {  	v8 =	vadd.s32 v8, v10;
	[tilespmem:s25+$0xC020] =	vst v11  }
0x67: {  	[tilespmem:s25+$0x8020] =	vst v8;
	v8 =	vld [tilespmem:s25+$0x4040]  }
0x68: {  	v9 =	vld.idx.msk [tilespmem:v9+s17+$0x0], $0xffff  }
0x69: {  	v10 =	vld [tilespmem:s25+$0x8030];
	_ =	sdelay $0x2  }
0x6a: {  	v11 =	vor.u32 s26, v3  }
0x6b: {  	v11 =	vshrl.u32 v11, $0x3  }
0x6c: {  	v9 =	vadd.s32 v9, v10;
	[tilespmem:s25+$0xC030] =	vst v11  }
0x6d: {  	[tilespmem:s25+$0x8030] =	vst v9;
	v9 =	vld [tilespmem:s25+$0x4050]  }
0x6e: {  	v8 =	vld.idx.msk [tilespmem:v8+s17+$0x0], $0xffff  }
0x6f: {  	v10 =	vld [tilespmem:s25+$0x8040];
	_ =	sdelay $0x2  }
0x70: {  	v11 =	vor.u32 s26, v4  }
0x71: {  	v11 =	vshrl.u32 v11, $0x3  }
0x72: {  	v8 =	vadd.s32 v8, v10;
	[tilespmem:s25+$0xC040] =	vst v11  }
0x73: {  	[tilespmem:s25+$0x8040] =	vst v8;
	v8 =	vor.u32 s26, v5;
	v10 =	vld [tilespmem:s25+$0x4060]  }
0x74: {  	v9 =	vld.idx.msk [tilespmem:v9+s17+$0x0], $0xffff;
	v8 =	vshrl.u32 v8, $0x3  }
0x75: {  	v11 =	vld [tilespmem:s25+$0x8050];
	[tilespmem:s25+$0xC050] =	vst v8;
	_ =	sdelay $0x4  }
0x76: {  	v8 =	vadd.s32 v9, v11  }
0x77: {  	[tilespmem:s25+$0x8050] =	vst v8;
	v8 =	vor.u32 s26, v6;
	v9 =	vld [tilespmem:s25+$0x4070]  }
0x78: {  	v10 =	vld.idx.msk [tilespmem:v10+s17+$0x0], $0xffff;
	v8 =	vshrl.u32 v8, $0x3  }
0x79: {  	v11 =	vld [tilespmem:s25+$0x8060];
	[tilespmem:s25+$0xC060] =	vst v8;
	_ =	sdelay $0x4  }
0x7a: {  	v8 =	vadd.s32 v10, v11  }
0x7b: {  	[tilespmem:s25+$0x8060] =	vst v8;
	v8 =	vor.u32 s26, v7  }
0x7c: {  	v9 =	vld.idx.msk [tilespmem:v9+s17+$0x0], $0xffff;
	v8 =	vshrl.u32 v8, $0x3  }
0x7d: {  	v10 =	vld [tilespmem:s25+$0x8070];
	[tilespmem:s25+$0xC070] =	vst v8;
	_ =	sdelay $0x3  }
.Ltmp0:
0x7e: {  	(pc) =	sbr.rel @p0 .LBB2_2-.Ltmp0, $4  }
0x7f: {  	v8 =	vadd.s32 v9, v10  }
0x80: {  	s30 =	sadd.s32 $0x8000, s25;
	[tilespmem:s25+$0x8070] =	vst v8  }
0x81: {  	[spmem:s1] =	stream.indirect.scatter [tilespmem:s25], [sflag:$0x1], $0x1, s30, s21, $0xb8;
	[tilespmem:$0x1C080] =	vst v63  }
0x82: {  	s31 =	sadd.s32 $0xC000, s25;
	s26 =	sadd.s32 $0x80, s26;
	s25 =	smov.u32 s29  }
0x83: {  	[spmem:s2] =	stream.indirect.scatter [tilespmem:s31], [sflag:$0x2], $0x1, s30, s21, $0xb8;
	[tilespmem:$0x1C080] =	vst v63  }
0x84: {  	v8 =	vld [tilespmem:s25+$0x4000];
	_ =	sdelay $0x5  }
0x85: {  	v9 =	vld [tilespmem:s25+$0x4010]  }
0x86: {  	v10 =	vld [tilespmem:s25+$0x8000]  }
0x87: {  	v8 =	vld.idx.msk [tilespmem:v8+s17+$0x0], $0xffff;
	_ =	sdelay $0x2  }
0x88: {  	v11 =	vor.u32 s26, v0  }
0x89: {  	v11 =	vshrl.u32 v11, $0x3  }
0x8a: {  	v47 =	vld [tilespmem:s25+$0x8010];
	[tilespmem:s25+$0xC000] =	vst v11;
	v8 =	vadd.s32 v8, v10  }
0x8b: {  	[tilespmem:s25+$0x8000] =	vst v8;
	v8 =	vld [tilespmem:s25+$0x4020]  }
0x8c: {  	v9 =	vld.idx.msk [tilespmem:v9+s17+$0x0], $0xffff;
	_ =	sdelay $0x2  }
0x8d: {  	v48 =	vor.u32 s26, v1  }
0x8e: {  	v11 =	vshrl.u32 v48, $0x3  }
0x8f: {  	v49 =	vld [tilespmem:s25+$0x4030];
	[tilespmem:s25+$0xC010] =	vst v11;
	v9 =	vadd.s32 v9, v47  }
0x90: {  	v50 =	vld [tilespmem:s25+$0x8020];
	[tilespmem:s25+$0x8010] =	vst v9  }
0x91: {  	v8 =	vld.idx.msk [tilespmem:v8+s17+$0x0], $0xffff;
	_ =	sdelay $0x2  }
0x92: {  	v51 =	vor.u32 s26, v2  }
0x93: {  	v11 =	vshrl.u32 v51, $0x3  }
0x94: {  	v52 =	vld [tilespmem:s25+$0x8030];
	[tilespmem:s25+$0xC020] =	vst v11;
	v8 =	vadd.s32 v8, v50  }
0x95: {  	[tilespmem:s25+$0x8020] =	vst v8;
	v8 =	vld [tilespmem:s25+$0x4040]  }
0x96: {  	v9 =	vld.idx.msk [tilespmem:v49+s17+$0x0], $0xffff;
	_ =	sdelay $0x2  }
0x97: {  	v53 =	vor.u32 s26, v3  }
0x98: {  	v11 =	vshrl.u32 v53, $0x3  }
0x99: {  	v54 =	vld [tilespmem:s25+$0x4050];
	[tilespmem:s25+$0xC030] =	vst v11;
	v9 =	vadd.s32 v9, v52  }
0x9a: {  	v55 =	vld [tilespmem:s25+$0x8040];
	[tilespmem:s25+$0x8030] =	vst v9  }
0x9b: {  	v8 =	vld.idx.msk [tilespmem:v8+s17+$0x0], $0xffff;
	_ =	sdelay $0x2  }
0x9c: {  	v56 =	vor.u32 s26, v4  }
0x9d: {  	v11 =	vshrl.u32 v56, $0x3  }
0x9e: {  	v57 =	vld [tilespmem:s25+$0x8050];
	[tilespmem:s25+$0xC040] =	vst v11;
	v8 =	vadd.s32 v8, v55  }
0x9f: {  	[tilespmem:s25+$0x8040] =	vst v8;
	v8 =	vld [tilespmem:s25+$0x4060]  }
0xa0: {  	v9 =	vld.idx.msk [tilespmem:v54+s17+$0x0], $0xffff;
	_ =	sdelay $0x2  }
0xa1: {  	v58 =	vor.u32 s26, v5  }
0xa2: {  	v11 =	vshrl.u32 v58, $0x3  }
0xa3: {  	v59 =	vld [tilespmem:s25+$0x4070];
	[tilespmem:s25+$0xC050] =	vst v11;
	v9 =	vadd.s32 v9, v57  }
0xa4: {  	v60 =	vld [tilespmem:s25+$0x8060];
	[tilespmem:s25+$0x8050] =	vst v9  }
0xa5: {  	v8 =	vld.idx.msk [tilespmem:v8+s17+$0x0], $0xffff;
	_ =	sdelay $0x2  }
0xa6: {  	v61 =	vor.u32 s26, v6  }
0xa7: {  	v11 =	vshrl.u32 v61, $0x3  }
0xa8: {  	[tilespmem:s25+$0xC060] =	vst v11;
	v8 =	vadd.s32 v8, v60  }
0xa9: {  	v62 =	vld [tilespmem:s25+$0x8070];
	[tilespmem:s25+$0x8060] =	vst v8  }
0xaa: {  	v8 =	vld.idx.msk [tilespmem:v59+s17+$0x0], $0xffff;
	_ =	sdelay $0x2  }
0xab: {  	v63 =	vor.u32 s26, v7  }
0xac: {  	v10 =	vshrl.u32 v63, $0x3  }
0xad: {  	[tilespmem:s25+$0xC070] =	vst v10;
	v8 =	vadd.s32 v8, v62  }
0xae: {  	s30 =	sadd.s32 $0x8000, s25;
	[tilespmem:s25+$0x8070] =	vst v8  }
0xaf: {  	[spmem:s1] =	stream.indirect.scatter [tilespmem:s25], [sflag:$0x1], $0x1, s30, s21, $0xb8;
	[tilespmem:$0x1C080] =	vst v63  }
0xb0: {  	s31 =	sadd.s32 $0xC000, s25  }
0xb1: {  	[spmem:s2] =	stream.indirect.scatter [tilespmem:s31], [sflag:$0x2], $0x1, s30, s21, $0xb8;
	[tilespmem:$0x1C080] =	vst v63  }
0xb2: {  	_ =	swait.ge [sflag:s19], $0x4000  }
0xb3: {  	[sflag:s19] =	ssyncset.done $0x0  }
0xb4: {  	[sflag:s19] =	ssyncadd.s32 $0xFFFFC000  }
0xb5: {  	_ =	swait.ge [sflag:s20], $0x4000  }
0xb6: {  	[sflag:s20] =	ssyncset.done $0x0  }
0xb7: {  	[sflag:s20] =	ssyncadd.s32 $0xFFFFC000  }
0xb8: {  	[bflag:$0x0] =	sbarrier.arrive $0xFFFF  }
0xb9: {  	[tilespmem:s22], [sflag:$0x3] =	stream.linear.gather [spmem:s10], $0x2000, $0x38;
	[tilespmem:$0x1C080] =	vst v63  }
0xba: {  	_ =	swait.ge [sflag:s18], $0x2000  }
0xbb: {  	[sflag:s18] =	ssyncset.done $0x0  }
0xbc: {  	[sflag:s18] =	ssyncadd.s32 $0xFFFFE000  }
0xbd: {  	[tilespmem:s23], [sflag:$0x3] =	stream.linear.gather [spmem:s11], $0x2000, $0x38;
	[tilespmem:$0x1C080] =	vst v63  }
0xbe: {  	_ =	swait.ge [sflag:s18], $0x2000  }
0xbf: {  	[sflag:s18] =	ssyncset.done $0x0  }
0xc0: {  	[sflag:s18] =	ssyncadd.s32 $0xFFFFE000  }
0xc1: {  	[hbm4b:s12+s4] =	stream.linear.scatter [tilespmem:s22], [sflag:$0x1], $0x2000, $0x38;
	[tilespmem:$0x1C080] =	vst v63  }
0xc2: {  	s24 =	sadd.s32 $0x1, s24  }
0xc3: {  	[hbm4b:s13+s4] =	stream.linear.scatter [tilespmem:s23], [sflag:$0x2], $0x2000, $0x38;
	[tilespmem:$0x1C080] =	vst v63  }
0xc4: {  	p0 =	sne.s32 s24, s14;
	_ =	swait.ge [sflag:s19], $0x2000  }
.Ltmp1:
0xc5: {  	[sflag:s19] =	ssyncset.done $0x0;
	(pc) =	sbr.rel @p0 .LBB2_1-.Ltmp1, $4  }
0xc6: {  	[sflag:s19] =	ssyncadd.s32 $0xFFFFE000  }
0xc7: {  	_ =	swait.ge [sflag:s20], $0x2000  }
0xc8: {  	[sflag:s20] =	ssyncset.done $0x0  }
0xc9: {  	[sflag:s20] =	ssyncadd.s32 $0xFFFFE000  }
0xca: {  	_ =	sfence.sel $0x180000  }
0xcb: {  	[bflag:$0x0] =	sbarrier.arrive $0xFFFF  }
0xcc: {  	p0 =	sne.s32 s3, $0x0;
	_ =	strace $0x90000047  }
0xcd: {  	s0 =	sadd.s32 @!p0 $0x100000, s0;
	[bflag:$0x2] =	sbarrier.arrive $0xFFFF  }
0xce: {  	[sflag:s0] =	ssyncadd.tile.s32 @!p0 $0x1;
	_ =	shalt  }
.Lfunc_end2:
_tile_overlayer_lowered:
.L_overlay_start_2:
0xcf: {  	(tag) =	ssettag $0x2  }
0xd0: {  	s0 =	rddreg [dreg:$0x0];
	s2 =	stileid.u32  }
0xd1: {  	s1 =	rddreg [dreg:$0x1];
	p0 =	sne.s32 s2, $0x0  }
0xd2: {  	s3 =	rddreg [dreg:$0x2];
	[bflag:$0x3] =	sbarrier.arrive $0xFFFF;
	s2 =	simm.s32 @!p0 $0x1C03  }
0xd3: {  	[timem:s3], [sflag:s2] =	dma.local @!p0 [hbm:s0], s1  }
0xd4: {  	s0 =	simm.s32 @!p0 $0x3  }
0xd5: {  	_ =	swait.ge @!p0 [sflag:s0], s1  }
0xd6: {  	s1 =	ssub.s32 @!p0 $0x0, s1;
	[sflag:s0] =	ssyncset.done @!p0 $0x0  }
0xd7: {  	[sflag:s0] =	ssyncadd.s32 @!p0 s1  }
0xd8: {  	[bflag:$0x3] =	sbarrier.arrive $0xFFFF  }
0xd9: {  	_ =	shalt  }

</sc_bundles>
